<compile_context>
chip_gen: v7x
topology: tpu7x:2x2x1
jax: 0.10.2.dev20260603
libtpu: 0.0.44.dev20260713+nightly
codegen_flags: <defaults>
</compile_context>

<pallas_src>
import functools

import jax
import jax.numpy as jnp
from jax import lax
from jax.experimental import pallas as pl
from jax.experimental.pallas import tpu as pltpu
from jax.experimental.pallas import tpu_sc as plsc


_BE = 8000


def _mlp_body(x_ref, w1_ref, b1_ref, c_ref, k_ref, o_ref):
    x = x_ref[...]
    h = jnp.dot(x, w1_ref[...], preferred_element_type=jnp.float32)
    h = h + b1_ref[...]
    h = jnp.where(h >= 0.0, h, 0.01 * h)
    o_ref[...] = (
        jnp.dot(h, c_ref[...], preferred_element_type=jnp.float32) + k_ref[0]
    )


def _edge_weights(x, w1big, b1big, cvec, const):
    E = x.shape[0]
    return pl.pallas_call(
        _mlp_body,
        grid=(E // _BE,),
        compiler_params=pltpu.CompilerParams(
            dimension_semantics=("parallel",)),
        in_specs=[
            pl.BlockSpec((_BE, 256), lambda i: (i, 0)),
            pl.BlockSpec((256, 128), lambda i: (0, 0)),
            pl.BlockSpec((1, 128), lambda i: (0, 0)),
            pl.BlockSpec((128, 1), lambda i: (0, 0)),
            pl.BlockSpec(memory_space=pltpu.SMEM),
        ],
        out_specs=pl.BlockSpec((_BE, 1), lambda i: (i, 0)),
        out_shape=jax.ShapeDtypeStruct((E, 1), jnp.float32),
    )(x, w1big, b1big, cvec, const)



_NW = 32
_EPW = 5120
_EP = _NW * _EPW
_NV = _EPW // 16
_NR = _EPW // 128
_NP = 10240
_NSL = _NP // 16


def _sc_scatter_fn():
    mesh = plsc.VectorSubcoreMesh(core_axis_name="c", subcore_axis_name="s")

    @functools.partial(
        pl.kernel,
        mesh=mesh,
        compiler_params=pltpu.CompilerParams(needs_layout_passes=False),
        out_type=jax.ShapeDtypeStruct((2 * 3 * _NP,), jnp.float32),
        scratch_types=[
            pltpu.VMEM((_NP,), jnp.float32),
            pltpu.VMEM((_NP,), jnp.float32),
            pltpu.VMEM((_NP,), jnp.float32),
            pltpu.VMEM((_NR, 128), jnp.int32),
            pltpu.VMEM((_EPW,), jnp.int32),
            pltpu.VMEM((_EPW,), jnp.float32),
            pltpu.VMEM((16,), jnp.int32),
            pltpu.VMEM((_EPW,), jnp.float32),
            pltpu.VMEM((_EPW,), jnp.float32),
            pltpu.VMEM((_EPW,), jnp.float32),
            pltpu.VMEM_SHARED((_NP,), jnp.float32),
            pltpu.VMEM_SHARED((_NP,), jnp.float32),
            pltpu.VMEM_SHARED((_NP,), jnp.float32),
            pltpu.SemaphoreType.DMA,
        ],
    )
    def sc(pos_hbm, i2_hbm, j_hbm, w_hbm, pn_hbm, out_hbm,
           px_v, py_v, pz_v, i2_v, j_v, w_v, pn_v, vx, vy, vz,
           accx, accy, accz, sem):
        cid = lax.axis_index("c")
        sid = lax.axis_index("s")
        wid = sid * 2 + cid
        base = wid * _EPW

        cps = [
            pltpu.async_copy(pos_hbm.at[pl.ds(0, _NP)], px_v, sem),
            pltpu.async_copy(pos_hbm.at[pl.ds(_NP, _NP)], py_v, sem),
            pltpu.async_copy(pos_hbm.at[pl.ds(2 * _NP, _NP)], pz_v, sem),
            pltpu.async_copy(i2_hbm.at[wid], i2_v, sem),
            pltpu.async_copy(j_hbm.at[pl.ds(base, _EPW)], j_v, sem),
            pltpu.async_copy(w_hbm.at[pl.ds(base, _EPW)], w_v, sem),
            pltpu.async_copy(pn_hbm, pn_v, sem),
        ]
        for cp in cps:
            cp.wait()
        pnv = pn_v[...]

        def zbody(n, _):
            vx[pl.ds(n * 16, 16)] = jnp.zeros((16,), jnp.float32)
            return 0
        lax.fori_loop(0, _NSL // 16, zbody, 0)
        off0 = sid * _NSL
        pltpu.sync_copy(vx.at[pl.ds(0, _NSL)], accx.at[pl.ds(off0, _NSL)])
        pltpu.sync_copy(vx.at[pl.ds(0, _NSL)], accy.at[pl.ds(off0, _NSL)])
        pltpu.sync_copy(vx.at[pl.ds(0, _NSL)], accz.at[pl.ds(off0, _NSL)])

        def body(n, _):
            off = n * 16
            iv = i2_v[n // 8, pl.ds((n % 8) * 16, 16)]
            jv = j_v[pl.ds(off, 16)]
            wv = w_v[pl.ds(off, 16)]
            pxi = plsc.load_gather(px_v, [iv])
            pyi = plsc.load_gather(py_v, [iv])
            pzi = plsc.load_gather(pz_v, [iv])
            pxj = plsc.load_gather(px_v, [jv])
            pyj = plsc.load_gather(py_v, [jv])
            pzj = plsc.load_gather(pz_v, [jv])
            dx = pxi - pxj
            dy = pyi - pyj
            dz = pzi - pzj
            r2 = dx * dx + dy * dy + dz * dz
            r2s = jnp.where(r2 > 0.0, r2, 1.0)
            y = plsc.bitcast(
                jnp.int32(0x5F3759DF) - (plsc.bitcast(r2s, jnp.int32) >> 1),
                jnp.float32,
            )
            hh = 0.5 * r2s
            y = y * (1.5 - hh * y * y)
            y = y * (1.5 - hh * y * y)
            y = y * (1.5 - hh * y * y)
            norm = r2s * y
            fac = jnp.where(iv >= pnv, wv, 0.0) / (norm + 1e-6)
            vx[pl.ds(off, 16)] = dx * fac
            vy[pl.ds(off, 16)] = dy * fac
            vz[pl.ds(off, 16)] = dz * fac
            return 0

        plsc.subcore_barrier()
        lax.fori_loop(0, _NV, body, 0)

        def sbody(r, _):
            row = i2_v.at[r]
            c1 = pltpu.async_copy(vx.at[pl.ds(r * 128, 128)], accx.at[row],
                                  sem, add=True)
            c2 = pltpu.async_copy(vy.at[pl.ds(r * 128, 128)], accy.at[row],
                                  sem, add=True)
            c3 = pltpu.async_copy(vz.at[pl.ds(r * 128, 128)], accz.at[row],
                                  sem, add=True)
            c1.wait()
            c2.wait()
            c3.wait()
            return 0

        lax.fori_loop(0, _NR, sbody, 0)
        plsc.subcore_barrier()

        obase = cid * (3 * _NP) + off0
        o1 = pltpu.async_copy(accx.at[pl.ds(off0, _NSL)],
                              out_hbm.at[pl.ds(obase, _NSL)], sem)
        o2 = pltpu.async_copy(accy.at[pl.ds(off0, _NSL)],
                              out_hbm.at[pl.ds(obase + _NP, _NSL)], sem)
        o3 = pltpu.async_copy(accz.at[pl.ds(off0, _NSL)],
                              out_hbm.at[pl.ds(obase + 2 * _NP, _NSL)], sem)
        o1.wait()
        o2.wait()
        o3.wait()

    return sc



def kernel(a_ij, pos, edge_index, pro_nodes, W1, b1, W2, b2, W3):
    E, H, D = a_ij.shape
    N = pos.shape[0]

    w1t = W1.T
    zero = jnp.zeros_like(w1t)
    w1big = jnp.block([
        [w1t, zero, zero, zero],
        [zero, w1t, zero, zero],
        [zero, zero, w1t, zero],
        [zero, zero, zero, w1t],
    ])
    b1big = jnp.tile(b1, H)[None, :]
    cvec = (W3[0][:, None] * W2[0][None, :]).reshape(H * (D // 2), 1)
    const = (b2[0] * jnp.sum(W3)).reshape(1)

    x = a_ij.reshape(E, H * D)
    w = _edge_weights(x, w1big, b1big, cvec, const).reshape(E)

    i = edge_index[0]
    j = edge_index[1]
    pad = _EP - E
    ip = jnp.concatenate([i, jnp.zeros((pad,), jnp.int32)])
    jp = jnp.concatenate([j, jnp.zeros((pad,), jnp.int32)])
    wp = jnp.concatenate([w, jnp.zeros((pad,), jnp.float32)])
    i2 = ip.reshape(_NW, _NR, 128)
    posp = jnp.pad(pos.T, ((0, 0), (0, _NP - N))).reshape(3 * _NP)
    pn16 = jnp.full((16,), pro_nodes, jnp.int32)

    partials = _sc_scatter_fn()(posp, i2, jp, wp, pn16).reshape(2, 3, _NP)
    agg = (partials[0] + partials[1])[:, :N].T
    return pos + agg

# --- scband reference (transcript-rebuilt; emitter-appended) ---
"""Pipeline reference for scband-coords-update-57973468561687 (READ-ONLY COPY).

The authoritative reference and input builder live on the scoring server;
editing this copy changes nothing except your own understanding.
"""

import jax, jax.numpy as jnp
import numpy as np


def setup_inputs(seed: int = 0) -> dict:
    key = jax.random.key(seed)
    ks = jax.random.split(key, 8)
    E = 160000
    N = 10000
    H = 4
    D = 64
    a_ij = jax.random.normal(ks[0], (E, H, D), dtype=jnp.float32)
    pos = jax.random.normal(ks[1], (N, 3), dtype=jnp.float32)
    edge_index = jax.random.randint(ks[2], (2, E), 0, N, dtype=jnp.int32)
    pro_nodes = 5000
    # parameters sized per init_kwargs: dim_dh=64, num_head=4
    # attention2deltax: Linear(64, 32) -> Dropout(eval: identity) -> LeakyReLU -> Linear(32, 1)
    W1 = jax.random.normal(ks[3], (D // 2, D), dtype=jnp.float32) / np.sqrt(D)
    b1 = jnp.zeros((D // 2,), dtype=jnp.float32)
    W2 = jax.random.normal(ks[4], (1, D // 2), dtype=jnp.float32) / np.sqrt(D // 2)
    b2 = jnp.zeros((1,), dtype=jnp.float32)
    # weighted_head_layer: Linear(num_head, 1, bias=False)
    W3 = jax.random.normal(ks[5], (1, H), dtype=jnp.float32) / np.sqrt(H)
    return {"a_ij": a_ij, "pos": pos, "edge_index": edge_index, "pro_nodes": pro_nodes,
            "W1": W1, "b1": b1, "W2": W2, "b2": b2, "W3": W3}


def reference(a_ij, pos, edge_index, pro_nodes, W1, b1, W2, b2, W3):
    # mask edges whose source index >= pro_nodes
    mask = edge_index[0] >= pro_nodes
    i = edge_index[0]
    j = edge_index[1]
    # unit direction vectors
    delta_x = pos[i] - pos[j]
    delta_x = delta_x / (jnp.linalg.norm(delta_x, axis=-1, keepdims=True) + 1e-06)
    # attention2deltax MLP on edge attention features [E, H, D]
    h = a_ij @ W1.T + b1                            # [E, H, D//2]
    h = jax.nn.leaky_relu(h, negative_slope=0.01)   # Dropout is identity in eval
    h = h @ W2.T + b2                               # [E, H, 1]
    h = jnp.squeeze(h, axis=2)                      # [E, H]
    w = h @ W3.T                                    # [E, 1]
    delta_x = jnp.where(mask[:, None], delta_x * w, 0.0)  # [E, 3]
    # scatter-sum over destination index i into node-sized buffer
    agg = jnp.zeros_like(pos).at[i].add(delta_x)
    return pos + agg

if __name__ == "__main__":
    import jax
    _d = setup_inputs()
    print(jax.jit(kernel)(*tuple(_d.values())))

</pallas_src>

<mosaic_0001>
#map = affine_map<(d0, d1) -> (0)>
#map1 = affine_map<(d0, d1) -> (0, 0, 0)>
module attributes {stable_mosaic.version = 14 : i64} {
  func.func @sc(%arg0: i32, %arg1: i32, %arg2: memref<30720xf32, #tpu.memory_space<hbm>>, %arg3: memref<32x40x128xi32, #tpu.memory_space<hbm>>, %arg4: memref<163840xi32, #tpu.memory_space<hbm>>, %arg5: memref<163840xf32, #tpu.memory_space<hbm>>, %arg6: memref<16xi32, #tpu.memory_space<hbm>>, %arg7: memref<61440xf32, #tpu.memory_space<hbm>>, %arg8: memref<10240xf32, #tpu.memory_space<vmem>>, %arg9: memref<10240xf32, #tpu.memory_space<vmem>>, %arg10: memref<10240xf32, #tpu.memory_space<vmem>>, %arg11: memref<40x128xi32, #tpu.memory_space<vmem>>, %arg12: memref<5120xi32, #tpu.memory_space<vmem>>, %arg13: memref<5120xf32, #tpu.memory_space<vmem>>, %arg14: memref<16xi32, #tpu.memory_space<vmem>>, %arg15: memref<5120xf32, #tpu.memory_space<vmem>>, %arg16: memref<5120xf32, #tpu.memory_space<vmem>>, %arg17: memref<5120xf32, #tpu.memory_space<vmem>>, %arg18: memref<10240xf32, #tpu.memory_space<vmem_shared>>, %arg19: memref<10240xf32, #tpu.memory_space<vmem_shared>>, %arg20: memref<10240xf32, #tpu.memory_space<vmem_shared>>, %arg21: memref<!tpu.dma_semaphore, #tpu.memory_space<semaphore_mem>>) attributes {dimension_semantics = [#tpu.dimension_semantics<core_parallel>, #tpu.dimension_semantics<subcore_parallel>], iteration_bounds = array<i64: 2, 16>, scalar_prefetch = 0 : i64, scratch_operands = 14 : i64, tpu.core_type = #tpu.core_type<sc_vector_subcore>, window_params = [{transform_indices = #map}, {transform_indices = #map1}, {transform_indices = #map}, {transform_indices = #map}, {transform_indices = #map}, {transform_indices = #map}]} {
    %mul3A = arith.constant 2 : i32
    %mul3A_0 = arith.muli %arg1, %mul3A : i32
    %add3A = arith.addi %mul3A_0, %arg0 : i32
    %mul3A_1 = arith.constant 5120 : i32
    %mul3A_2 = arith.muli %add3A, %mul3A_1 : i32
    %dma_start3A = arith.constant 0 : i32
    %dma_start3A_3 = tpu.memref_slice %arg2[%dma_start3A] : memref<30720xf32, #tpu.memory_space<hbm>> -> memref<10240xf32, #tpu.memory_space<hbm>>
    %dma_start3A_4 = arith.constant 0 : i32
    %dma_start3A_5 = tpu.memref_slice %arg2[%dma_start3A_4] : memref<30720xf32, #tpu.memory_space<hbm>> -> memref<10240xf32, #tpu.memory_space<hbm>>
    tpu.enqueue_dma source(%dma_start3A_5 : memref<10240xf32, #tpu.memory_space<hbm>>) target(%arg8 : memref<10240xf32, #tpu.memory_space<vmem>>) target_semaphore(%arg21 : memref<!tpu.dma_semaphore, #tpu.memory_space<semaphore_mem>>)
    %dma_start3A_6 = arith.constant 10240 : i32
    %dma_start3A_7 = tpu.memref_slice %arg2[%dma_start3A_6] : memref<30720xf32, #tpu.memory_space<hbm>> -> memref<10240xf32, #tpu.memory_space<hbm>>
    %dma_start3A_8 = arith.constant 10240 : i32
    %dma_start3A_9 = tpu.memref_slice %arg2[%dma_start3A_8] : memref<30720xf32, #tpu.memory_space<hbm>> -> memref<10240xf32, #tpu.memory_space<hbm>>
    tpu.enqueue_dma source(%dma_start3A_9 : memref<10240xf32, #tpu.memory_space<hbm>>) target(%arg9 : memref<10240xf32, #tpu.memory_space<vmem>>) target_semaphore(%arg21 : memref<!tpu.dma_semaphore, #tpu.memory_space<semaphore_mem>>)
    %dma_start3A_10 = arith.constant 20480 : i32
    %dma_start3A_11 = tpu.memref_slice %arg2[%dma_start3A_10] : memref<30720xf32, #tpu.memory_space<hbm>> -> memref<10240xf32, #tpu.memory_space<hbm>>
    %dma_start3A_12 = arith.constant 20480 : i32
    %dma_start3A_13 = tpu.memref_slice %arg2[%dma_start3A_12] : memref<30720xf32, #tpu.memory_space<hbm>> -> memref<10240xf32, #tpu.memory_space<hbm>>
    tpu.enqueue_dma source(%dma_start3A_13 : memref<10240xf32, #tpu.memory_space<hbm>>) target(%arg10 : memref<10240xf32, #tpu.memory_space<vmem>>) target_semaphore(%arg21 : memref<!tpu.dma_semaphore, #tpu.memory_space<semaphore_mem>>)
    %dma_start3A_14 = arith.constant 0 : i32
    %dma_start3A_15 = arith.constant 0 : i32
    %dma_start3A_16 = tpu.memref_slice %arg3[%add3A, %dma_start3A_14, %dma_start3A_15] : memref<32x40x128xi32, #tpu.memory_space<hbm>> -> memref<1x40x128xi32, #tpu.memory_space<hbm>>
    %dma_start3A_17 = tpu.memref_squeeze %dma_start3A_16 : memref<1x40x128xi32, #tpu.memory_space<hbm>> -> memref<40x128xi32, #tpu.memory_space<hbm>>
    %dma_start3A_18 = arith.constant 0 : i32
    %dma_start3A_19 = arith.constant 0 : i32
    %dma_start3A_20 = tpu.memref_slice %arg3[%add3A, %dma_start3A_18, %dma_start3A_19] : memref<32x40x128xi32, #tpu.memory_space<hbm>> -> memref<1x40x128xi32, #tpu.memory_space<hbm>>
    %dma_start3A_21 = tpu.memref_squeeze %dma_start3A_20 : memref<1x40x128xi32, #tpu.memory_space<hbm>> -> memref<40x128xi32, #tpu.memory_space<hbm>>
    tpu.enqueue_dma source(%dma_start3A_21 : memref<40x128xi32, #tpu.memory_space<hbm>>) target(%arg11 : memref<40x128xi32, #tpu.memory_space<vmem>>) target_semaphore(%arg21 : memref<!tpu.dma_semaphore, #tpu.memory_space<semaphore_mem>>)
    %dma_start3A_22 = tpu.memref_slice %arg4[%mul3A_2] : memref<163840xi32, #tpu.memory_space<hbm>> -> memref<5120xi32, #tpu.memory_space<hbm>>
    %dma_start3A_23 = tpu.memref_slice %arg4[%mul3A_2] : memref<163840xi32, #tpu.memory_space<hbm>> -> memref<5120xi32, #tpu.memory_space<hbm>>
    tpu.enqueue_dma source(%dma_start3A_23 : memref<5120xi32, #tpu.memory_space<hbm>>) target(%arg12 : memref<5120xi32, #tpu.memory_space<vmem>>) target_semaphore(%arg21 : memref<!tpu.dma_semaphore, #tpu.memory_space<semaphore_mem>>)
    %dma_start3A_24 = tpu.memref_slice %arg5[%mul3A_2] : memref<163840xf32, #tpu.memory_space<hbm>> -> memref<5120xf32, #tpu.memory_space<hbm>>
    %dma_start3A_25 = tpu.memref_slice %arg5[%mul3A_2] : memref<163840xf32, #tpu.memory_space<hbm>> -> memref<5120xf32, #tpu.memory_space<hbm>>
    tpu.enqueue_dma source(%dma_start3A_25 : memref<5120xf32, #tpu.memory_space<hbm>>) target(%arg13 : memref<5120xf32, #tpu.memory_space<vmem>>) target_semaphore(%arg21 : memref<!tpu.dma_semaphore, #tpu.memory_space<semaphore_mem>>)
    tpu.enqueue_dma source(%arg6 : memref<16xi32, #tpu.memory_space<hbm>>) target(%arg14 : memref<16xi32, #tpu.memory_space<vmem>>) target_semaphore(%arg21 : memref<!tpu.dma_semaphore, #tpu.memory_space<semaphore_mem>>)
    %dma_wait3A = arith.constant 0 : i32
    %dma_wait3A_26 = tpu.memref_slice %arg2[%dma_wait3A] : memref<30720xf32, #tpu.memory_space<hbm>> -> memref<10240xf32, #tpu.memory_space<hbm>>
    %dma_wait3A_27 = arith.constant 0 : i32
    %dma_wait3A_28 = tpu.memref_slice %arg2[%dma_wait3A_27] : memref<30720xf32, #tpu.memory_space<hbm>> -> memref<10240xf32, #tpu.memory_space<hbm>>
    tpu.wait_dma2 semaphore(%arg21 : memref<!tpu.dma_semaphore, #tpu.memory_space<semaphore_mem>>) src(%dma_wait3A_28 : memref<10240xf32, #tpu.memory_space<hbm>>) dst(%arg8 : memref<10240xf32, #tpu.memory_space<vmem>>)
    %dma_wait3A_29 = arith.constant 10240 : i32
    %dma_wait3A_30 = tpu.memref_slice %arg2[%dma_wait3A_29] : memref<30720xf32, #tpu.memory_space<hbm>> -> memref<10240xf32, #tpu.memory_space<hbm>>
    %dma_wait3A_31 = arith.constant 10240 : i32
    %dma_wait3A_32 = tpu.memref_slice %arg2[%dma_wait3A_31] : memref<30720xf32, #tpu.memory_space<hbm>> -> memref<10240xf32, #tpu.memory_space<hbm>>
    tpu.wait_dma2 semaphore(%arg21 : memref<!tpu.dma_semaphore, #tpu.memory_space<semaphore_mem>>) src(%dma_wait3A_32 : memref<10240xf32, #tpu.memory_space<hbm>>) dst(%arg9 : memref<10240xf32, #tpu.memory_space<vmem>>)
    %dma_wait3A_33 = arith.constant 20480 : i32
    %dma_wait3A_34 = tpu.memref_slice %arg2[%dma_wait3A_33] : memref<30720xf32, #tpu.memory_space<hbm>> -> memref<10240xf32, #tpu.memory_space<hbm>>
    %dma_wait3A_35 = arith.constant 20480 : i32
    %dma_wait3A_36 = tpu.memref_slice %arg2[%dma_wait3A_35] : memref<30720xf32, #tpu.memory_space<hbm>> -> memref<10240xf32, #tpu.memory_space<hbm>>
    tpu.wait_dma2 semaphore(%arg21 : memref<!tpu.dma_semaphore, #tpu.memory_space<semaphore_mem>>) src(%dma_wait3A_36 : memref<10240xf32, #tpu.memory_space<hbm>>) dst(%arg10 : memref<10240xf32, #tpu.memory_space<vmem>>)
    %dma_wait3A_37 = arith.constant 0 : i32
    %dma_wait3A_38 = arith.constant 0 : i32
    %dma_wait3A_39 = tpu.memref_slice %arg3[%add3A, %dma_wait3A_37, %dma_wait3A_38] : memref<32x40x128xi32, #tpu.memory_space<hbm>> -> memref<1x40x128xi32, #tpu.memory_space<hbm>>
    %dma_wait3A_40 = tpu.memref_squeeze %dma_wait3A_39 : memref<1x40x128xi32, #tpu.memory_space<hbm>> -> memref<40x128xi32, #tpu.memory_space<hbm>>
    %dma_wait3A_41 = arith.constant 0 : i32
    %dma_wait3A_42 = arith.constant 0 : i32
    %dma_wait3A_43 = tpu.memref_slice %arg3[%add3A, %dma_wait3A_41, %dma_wait3A_42] : memref<32x40x128xi32, #tpu.memory_space<hbm>> -> memref<1x40x128xi32, #tpu.memory_space<hbm>>
    %dma_wait3A_44 = tpu.memref_squeeze %dma_wait3A_43 : memref<1x40x128xi32, #tpu.memory_space<hbm>> -> memref<40x128xi32, #tpu.memory_space<hbm>>
    tpu.wait_dma2 semaphore(%arg21 : memref<!tpu.dma_semaphore, #tpu.memory_space<semaphore_mem>>) src(%dma_wait3A_44 : memref<40x128xi32, #tpu.memory_space<hbm>>) dst(%arg11 : memref<40x128xi32, #tpu.memory_space<vmem>>)
    %dma_wait3A_45 = tpu.memref_slice %arg4[%mul3A_2] : memref<163840xi32, #tpu.memory_space<hbm>> -> memref<5120xi32, #tpu.memory_space<hbm>>
    %dma_wait3A_46 = tpu.memref_slice %arg4[%mul3A_2] : memref<163840xi32, #tpu.memory_space<hbm>> -> memref<5120xi32, #tpu.memory_space<hbm>>
    tpu.wait_dma2 semaphore(%arg21 : memref<!tpu.dma_semaphore, #tpu.memory_space<semaphore_mem>>) src(%dma_wait3A_46 : memref<5120xi32, #tpu.memory_space<hbm>>) dst(%arg12 : memref<5120xi32, #tpu.memory_space<vmem>>)
    %dma_wait3A_47 = tpu.memref_slice %arg5[%mul3A_2] : memref<163840xf32, #tpu.memory_space<hbm>> -> memref<5120xf32, #tpu.memory_space<hbm>>
    %dma_wait3A_48 = tpu.memref_slice %arg5[%mul3A_2] : memref<163840xf32, #tpu.memory_space<hbm>> -> memref<5120xf32, #tpu.memory_space<hbm>>
    tpu.wait_dma2 semaphore(%arg21 : memref<!tpu.dma_semaphore, #tpu.memory_space<semaphore_mem>>) src(%dma_wait3A_48 : memref<5120xf32, #tpu.memory_space<hbm>>) dst(%arg13 : memref<5120xf32, #tpu.memory_space<vmem>>)
    tpu.wait_dma2 semaphore(%arg21 : memref<!tpu.dma_semaphore, #tpu.memory_space<semaphore_mem>>) src(%arg6 : memref<16xi32, #tpu.memory_space<hbm>>) dst(%arg14 : memref<16xi32, #tpu.memory_space<vmem>>)
    %get3A = arith.constant 0 : index
    %get3A_49 = tpu.vector_load %arg14[%get3A] {strides = array<i32>} : memref<16xi32, #tpu.memory_space<vmem>>, vector<16xi32>,
    %scan3A = arith.constant 0 : i32
    %scan3A_50 = arith.constant 0 : i32
    %scan3A_51 = arith.constant 40 : i32
    %scan3A_52 = arith.addi %scan3A_50, %scan3A_51 : i32
    %scan3A_53 = arith.constant 1 : i32
    %scan3A_54 = scf.for %scan3A_92 = %scan3A_50 to %scan3A_52 step %scan3A_53 iter_args(%scan3A_93 = %scan3A) -> (i32)  : i32 {
      %broadcast_in_dim3A = arith.constant 0.000000e+00 : f32
      %broadcast_in_dim3A_94 = vector.broadcast %broadcast_in_dim3A : f32 to vector<16xf32>
      %mul3A_95 = arith.constant 16 : i32
      %mul3A_96 = arith.muli %scan3A_92, %mul3A_95 : i32
      %swap3A = arith.index_cast %mul3A_96 : i32 to index
      %swap3A_97 = tpu.vector_load %arg15[%swap3A] {strides = array<i32>} : memref<5120xf32, #tpu.memory_space<vmem>>, vector<16xf32>,
      tpu.vector_store %arg15[%swap3A], %broadcast_in_dim3A_94 {strides = array<i32>} : memref<5120xf32, #tpu.memory_space<vmem>>, vector<16xf32>,
      %scan3A_98 = arith.constant 0 : i32
      scf.yield %scan3A_98 : i32
    }
    %scan3A_55 = arith.constant 40 : i32
    %mul3A_56 = arith.constant 640 : i32
    %mul3A_57 = arith.muli %arg1, %mul3A_56 : i32
    "tpu.region"() ({
      %run_scoped3A = tpu.sem_alloc : memref<!tpu.dma_semaphore, #tpu.memory_space<semaphore_mem>>
      %dma_start3A_92 = arith.constant 0 : i32
      %dma_start3A_93 = tpu.memref_slice %arg15[%dma_start3A_92] : memref<5120xf32, #tpu.memory_space<vmem>> -> memref<640xf32, #tpu.memory_space<vmem>>
      %dma_start3A_94 = tpu.memref_slice %arg18[%mul3A_57] : memref<10240xf32, #tpu.memory_space<vmem_shared>> -> memref<640xf32, #tpu.memory_space<vmem_shared>>
      %dma_start3A_95 = tpu.memref_slice %arg18[%mul3A_57] : memref<10240xf32, #tpu.memory_space<vmem_shared>> -> memref<640xf32, #tpu.memory_space<vmem_shared>>
      %dma_start3A_96 = arith.constant 0 : i32
      %dma_start3A_97 = tpu.memref_slice %arg15[%dma_start3A_96] : memref<5120xf32, #tpu.memory_space<vmem>> -> memref<640xf32, #tpu.memory_space<vmem>>
      tpu.enqueue_dma source(%dma_start3A_97 : memref<640xf32, #tpu.memory_space<vmem>>) target(%dma_start3A_95 : memref<640xf32, #tpu.memory_space<vmem_shared>>) target_semaphore(%run_scoped3A : memref<!tpu.dma_semaphore, #tpu.memory_space<semaphore_mem>>)
      %dma_wait3A_98 = arith.constant 0 : i32
      %dma_wait3A_99 = tpu.memref_slice %arg15[%dma_wait3A_98] : memref<5120xf32, #tpu.memory_space<vmem>> -> memref<640xf32, #tpu.memory_space<vmem>>
      %dma_wait3A_100 = tpu.memref_slice %arg18[%mul3A_57] : memref<10240xf32, #tpu.memory_space<vmem_shared>> -> memref<640xf32, #tpu.memory_space<vmem_shared>>
      %dma_wait3A_101 = tpu.memref_slice %arg18[%mul3A_57] : memref<10240xf32, #tpu.memory_space<vmem_shared>> -> memref<640xf32, #tpu.memory_space<vmem_shared>>
      %dma_wait3A_102 = arith.constant 0 : i32
      %dma_wait3A_103 = tpu.memref_slice %arg15[%dma_wait3A_102] : memref<5120xf32, #tpu.memory_space<vmem>> -> memref<640xf32, #tpu.memory_space<vmem>>
      tpu.wait_dma2 semaphore(%run_scoped3A : memref<!tpu.dma_semaphore, #tpu.memory_space<semaphore_mem>>) src(%dma_wait3A_103 : memref<640xf32, #tpu.memory_space<vmem>>) dst(%dma_wait3A_101 : memref<640xf32, #tpu.memory_space<vmem_shared>>)
      tpu.yield
    }) : () -> ()
    "tpu.region"() ({
      %run_scoped3A = tpu.sem_alloc : memref<!tpu.dma_semaphore, #tpu.memory_space<semaphore_mem>>
      %dma_start3A_92 = arith.constant 0 : i32
      %dma_start3A_93 = tpu.memref_slice %arg15[%dma_start3A_92] : memref<5120xf32, #tpu.memory_space<vmem>> -> memref<640xf32, #tpu.memory_space<vmem>>
      %dma_start3A_94 = tpu.memref_slice %arg19[%mul3A_57] : memref<10240xf32, #tpu.memory_space<vmem_shared>> -> memref<640xf32, #tpu.memory_space<vmem_shared>>
      %dma_start3A_95 = tpu.memref_slice %arg19[%mul3A_57] : memref<10240xf32, #tpu.memory_space<vmem_shared>> -> memref<640xf32, #tpu.memory_space<vmem_shared>>
      %dma_start3A_96 = arith.constant 0 : i32
      %dma_start3A_97 = tpu.memref_slice %arg15[%dma_start3A_96] : memref<5120xf32, #tpu.memory_space<vmem>> -> memref<640xf32, #tpu.memory_space<vmem>>
      tpu.enqueue_dma source(%dma_start3A_97 : memref<640xf32, #tpu.memory_space<vmem>>) target(%dma_start3A_95 : memref<640xf32, #tpu.memory_space<vmem_shared>>) target_semaphore(%run_scoped3A : memref<!tpu.dma_semaphore, #tpu.memory_space<semaphore_mem>>)
      %dma_wait3A_98 = arith.constant 0 : i32
      %dma_wait3A_99 = tpu.memref_slice %arg15[%dma_wait3A_98] : memref<5120xf32, #tpu.memory_space<vmem>> -> memref<640xf32, #tpu.memory_space<vmem>>
      %dma_wait3A_100 = tpu.memref_slice %arg19[%mul3A_57] : memref<10240xf32, #tpu.memory_space<vmem_shared>> -> memref<640xf32, #tpu.memory_space<vmem_shared>>
      %dma_wait3A_101 = tpu.memref_slice %arg19[%mul3A_57] : memref<10240xf32, #tpu.memory_space<vmem_shared>> -> memref<640xf32, #tpu.memory_space<vmem_shared>>
      %dma_wait3A_102 = arith.constant 0 : i32
      %dma_wait3A_103 = tpu.memref_slice %arg15[%dma_wait3A_102] : memref<5120xf32, #tpu.memory_space<vmem>> -> memref<640xf32, #tpu.memory_space<vmem>>
      tpu.wait_dma2 semaphore(%run_scoped3A : memref<!tpu.dma_semaphore, #tpu.memory_space<semaphore_mem>>) src(%dma_wait3A_103 : memref<640xf32, #tpu.memory_space<vmem>>) dst(%dma_wait3A_101 : memref<640xf32, #tpu.memory_space<vmem_shared>>)
      tpu.yield
    }) : () -> ()
    "tpu.region"() ({
      %run_scoped3A = tpu.sem_alloc : memref<!tpu.dma_semaphore, #tpu.memory_space<semaphore_mem>>
      %dma_start3A_92 = arith.constant 0 : i32
      %dma_start3A_93 = tpu.memref_slice %arg15[%dma_start3A_92] : memref<5120xf32, #tpu.memory_space<vmem>> -> memref<640xf32, #tpu.memory_space<vmem>>
      %dma_start3A_94 = tpu.memref_slice %arg20[%mul3A_57] : memref<10240xf32, #tpu.memory_space<vmem_shared>> -> memref<640xf32, #tpu.memory_space<vmem_shared>>
      %dma_start3A_95 = tpu.memref_slice %arg20[%mul3A_57] : memref<10240xf32, #tpu.memory_space<vmem_shared>> -> memref<640xf32, #tpu.memory_space<vmem_shared>>
      %dma_start3A_96 = arith.constant 0 : i32
      %dma_start3A_97 = tpu.memref_slice %arg15[%dma_start3A_96] : memref<5120xf32, #tpu.memory_space<vmem>> -> memref<640xf32, #tpu.memory_space<vmem>>
      tpu.enqueue_dma source(%dma_start3A_97 : memref<640xf32, #tpu.memory_space<vmem>>) target(%dma_start3A_95 : memref<640xf32, #tpu.memory_space<vmem_shared>>) target_semaphore(%run_scoped3A : memref<!tpu.dma_semaphore, #tpu.memory_space<semaphore_mem>>)
      %dma_wait3A_98 = arith.constant 0 : i32
      %dma_wait3A_99 = tpu.memref_slice %arg15[%dma_wait3A_98] : memref<5120xf32, #tpu.memory_space<vmem>> -> memref<640xf32, #tpu.memory_space<vmem>>
      %dma_wait3A_100 = tpu.memref_slice %arg20[%mul3A_57] : memref<10240xf32, #tpu.memory_space<vmem_shared>> -> memref<640xf32, #tpu.memory_space<vmem_shared>>
      %dma_wait3A_101 = tpu.memref_slice %arg20[%mul3A_57] : memref<10240xf32, #tpu.memory_space<vmem_shared>> -> memref<640xf32, #tpu.memory_space<vmem_shared>>
      %dma_wait3A_102 = arith.constant 0 : i32
      %dma_wait3A_103 = tpu.memref_slice %arg15[%dma_wait3A_102] : memref<5120xf32, #tpu.memory_space<vmem>> -> memref<640xf32, #tpu.memory_space<vmem>>
      tpu.wait_dma2 semaphore(%run_scoped3A : memref<!tpu.dma_semaphore, #tpu.memory_space<semaphore_mem>>) src(%dma_wait3A_103 : memref<640xf32, #tpu.memory_space<vmem>>) dst(%dma_wait3A_101 : memref<640xf32, #tpu.memory_space<vmem_shared>>)
      tpu.yield
    }) : () -> ()
    %barrier3A = arith.constant 0 : index
    tpu.barrier barrier_id(%barrier3A)
    %scan3A_58 = arith.constant 0 : i32
    %scan3A_59 = arith.constant 0 : i32
    %scan3A_60 = arith.constant 320 : i32
    %scan3A_61 = arith.addi %scan3A_59, %scan3A_60 : i32
    %scan3A_62 = arith.constant 1 : i32
    %scan3A_63 = scf.for %scan3A_92 = %scan3A_59 to %scan3A_61 step %scan3A_62 iter_args(%scan3A_93 = %scan3A_58) -> (i32)  : i32 {
      %mul3A_94 = arith.constant 16 : i32
      %mul3A_95 = arith.muli %scan3A_92, %mul3A_94 : i32
      %jit3A = arith.constant 8 : i32
      %div3A = arith.divsi %scan3A_92, %jit3A : i32
      %sign3A = arith.constant 0 : i32
      %sign3A_96 = arith.cmpi sgt, %scan3A_92, %sign3A : i32
      %sign3A_97 = arith.extui %sign3A_96 : i1 to i32
      %sign3A_98 = arith.constant 0 : i32
      %sign3A_99 = arith.cmpi slt, %scan3A_92, %sign3A_98 : i32
      %sign3A_100 = arith.extui %sign3A_99 : i1 to i32
      %sign3A_101 = arith.subi %sign3A_97, %sign3A_100 : i32
      %sign3A_102 = arith.constant 0 : i32
      %sign3A_103 = arith.cmpi sgt, %jit3A, %sign3A_102 : i32
      %sign3A_104 = arith.extui %sign3A_103 : i1 to i32
      %sign3A_105 = arith.constant 0 : i32
      %sign3A_106 = arith.cmpi slt, %jit3A, %sign3A_105 : i32
      %sign3A_107 = arith.extui %sign3A_106 : i1 to i32
      %sign3A_108 = arith.subi %sign3A_104, %sign3A_107 : i32
      %ne3A = arith.cmpi ne, %sign3A_101, %sign3A_108 : i32
      %rem3A = arith.remsi %scan3A_92, %jit3A : i32
      %ne3A_109 = arith.constant 0 : i32
      %ne3A_110 = arith.cmpi ne, %rem3A, %ne3A_109 : i32
      %and3A = arith.andi %ne3A, %ne3A_110 : i1
      %sub3A = arith.constant 1 : i32
      %sub3A_111 = arith.subi %div3A, %sub3A : i32
      %select_n3A = arith.select %and3A, %sub3A_111, %div3A : i32
      %jit3A_112 = arith.constant 8 : i32
      %eq3A = arith.constant 0 : i32
      %eq3A_113 = arith.cmpi eq, %jit3A_112, %eq3A : i32
      %jit3A_114 = arith.constant 1 : i32
      %select_n3A_115 = arith.select %eq3A_113, %jit3A_114, %jit3A_112 : i32
      %rem3A_116 = arith.remsi %scan3A_92, %select_n3A_115 : i32
      %ne3A_117 = arith.constant 0 : i32
      %ne3A_118 = arith.cmpi ne, %rem3A_116, %ne3A_117 : i32
      %lt3A = arith.constant 0 : i32
      %lt3A_119 = arith.cmpi slt, %rem3A_116, %lt3A : i32
      %lt3A_120 = arith.constant 0 : i32
      %lt3A_121 = arith.cmpi slt, %select_n3A_115, %lt3A_120 : i32
      %ne3A_122 = arith.xori %lt3A_119, %lt3A_121 : i1
      %and3A_123 = arith.andi %ne3A_122, %ne3A_118 : i1
      %add3A_124 = arith.addi %rem3A_116, %select_n3A_115 : i32
      %select_n3A_125 = arith.select %and3A_123, %add3A_124, %rem3A_116 : i32
      %mul3A_126 = arith.constant 16 : i32
      %mul3A_127 = arith.muli %select_n3A_125, %mul3A_126 : i32
      %get3A_128 = arith.index_cast %select_n3A : i32 to index
      %get3A_129 = arith.index_cast %mul3A_127 : i32 to index
      %get3A_130 = tpu.vector_load %arg11[%get3A_128, %get3A_129] {strides = array<i32>} : memref<40x128xi32, #tpu.memory_space<vmem>>, vector<16xi32>,
      %get3A_131 = arith.index_cast %mul3A_95 : i32 to index
      %get3A_132 = tpu.vector_load %arg12[%get3A_131] {strides = array<i32>} : memref<5120xi32, #tpu.memory_space<vmem>>, vector<16xi32>,
      %get3A_133 = arith.index_cast %mul3A_95 : i32 to index
      %get3A_134 = tpu.vector_load %arg13[%get3A_133] {strides = array<i32>} : memref<5120xf32, #tpu.memory_space<vmem>>, vector<16xf32>,
      %gather3A = tpu.vector_load_idx %arg8[%get3A_130] : memref<10240xf32, #tpu.memory_space<vmem>>[vector<16xi32>], vector<16xf32>,
      %gather3A_135 = tpu.vector_load_idx %arg9[%get3A_130] : memref<10240xf32, #tpu.memory_space<vmem>>[vector<16xi32>], vector<16xf32>,
      %gather3A_136 = tpu.vector_load_idx %arg10[%get3A_130] : memref<10240xf32, #tpu.memory_space<vmem>>[vector<16xi32>], vector<16xf32>,
      %gather3A_137 = tpu.vector_load_idx %arg8[%get3A_132] : memref<10240xf32, #tpu.memory_space<vmem>>[vector<16xi32>], vector<16xf32>,
      %gather3A_138 = tpu.vector_load_idx %arg9[%get3A_132] : memref<10240xf32, #tpu.memory_space<vmem>>[vector<16xi32>], vector<16xf32>,
      %gather3A_139 = tpu.vector_load_idx %arg10[%get3A_132] : memref<10240xf32, #tpu.memory_space<vmem>>[vector<16xi32>], vector<16xf32>,
      %sub3A_140 = arith.subf %gather3A, %gather3A_137 : vector<16xf32>
      %sub3A_141 = arith.subf %gather3A_135, %gather3A_138 : vector<16xf32>
      %sub3A_142 = arith.subf %gather3A_136, %gather3A_139 : vector<16xf32>
      %mul3A_143 = arith.mulf %sub3A_140, %sub3A_140 : vector<16xf32>
      %mul3A_144 = arith.mulf %sub3A_141, %sub3A_141 : vector<16xf32>
      %add3A_145 = arith.addf %mul3A_143, %mul3A_144 : vector<16xf32>
      %mul3A_146 = arith.mulf %sub3A_142, %sub3A_142 : vector<16xf32>
      %add3A_147 = arith.addf %add3A_145, %mul3A_146 : vector<16xf32>
      %gt3A = arith.constant 0.000000e+00 : f32
      %gt3A_148 = vector.broadcast %gt3A : f32 to vector<16xf32>
      %gt3A_149 = arith.cmpf ogt, %add3A_147, %gt3A_148 : vector<16xf32>
      %jit3A_150 = arith.constant 1.000000e+00 : f32
      %broadcast_in_dim3A = vector.broadcast %jit3A_150 : f32 to vector<16xf32>
      %select_n3A_151 = arith.select %gt3A_149, %add3A_147, %broadcast_in_dim3A : vector<16xi1>, vector<16xf32>
      %bitcast3A = vector.bitcast %select_n3A_151 : vector<16xf32> to vector<16xi32>
      %shift_right_arithmetic3A = arith.constant 1 : i32
      %shift_right_arithmetic3A_152 = vector.broadcast %shift_right_arithmetic3A : i32 to vector<16xi32>
      %shift_right_arithmetic3A_153 = arith.shrsi %bitcast3A, %shift_right_arithmetic3A_152 : vector<16xi32>
      %sub3A_154 = arith.constant 1597463007 : i32
      %sub3A_155 = vector.broadcast %sub3A_154 : i32 to vector<16xi32>
      %sub3A_156 = arith.subi %sub3A_155, %shift_right_arithmetic3A_153 : vector<16xi32>
      %bitcast3A_157 = vector.bitcast %sub3A_156 : vector<16xi32> to vector<16xf32>
      %mul3A_158 = arith.constant 5.000000e-01 : f32
      %mul3A_159 = vector.broadcast %mul3A_158 : f32 to vector<16xf32>
      %mul3A_160 = arith.mulf %mul3A_159, %select_n3A_151 : vector<16xf32>
      %mul3A_161 = arith.mulf %mul3A_160, %bitcast3A_157 : vector<16xf32>
      %mul3A_162 = arith.mulf %mul3A_161, %bitcast3A_157 : vector<16xf32>
      %sub3A_163 = arith.constant 1.500000e+00 : f32
      %sub3A_164 = vector.broadcast %sub3A_163 : f32 to vector<16xf32>
      %sub3A_165 = arith.subf %sub3A_164, %mul3A_162 : vector<16xf32>
      %mul3A_166 = arith.mulf %bitcast3A_157, %sub3A_165 : vector<16xf32>
      %mul3A_167 = arith.mulf %mul3A_160, %mul3A_166 : vector<16xf32>
      %mul3A_168 = arith.mulf %mul3A_167, %mul3A_166 : vector<16xf32>
      %sub3A_169 = arith.constant 1.500000e+00 : f32
      %sub3A_170 = vector.broadcast %sub3A_169 : f32 to vector<16xf32>
      %sub3A_171 = arith.subf %sub3A_170, %mul3A_168 : vector<16xf32>
      %mul3A_172 = arith.mulf %mul3A_166, %sub3A_171 : vector<16xf32>
      %mul3A_173 = arith.mulf %mul3A_160, %mul3A_172 : vector<16xf32>
      %mul3A_174 = arith.mulf %mul3A_173, %mul3A_172 : vector<16xf32>
      %sub3A_175 = arith.constant 1.500000e+00 : f32
      %sub3A_176 = vector.broadcast %sub3A_175 : f32 to vector<16xf32>
      %sub3A_177 = arith.subf %sub3A_176, %mul3A_174 : vector<16xf32>
      %mul3A_178 = arith.mulf %mul3A_172, %sub3A_177 : vector<16xf32>
      %mul3A_179 = arith.mulf %select_n3A_151, %mul3A_178 : vector<16xf32>
      %ge3A = arith.cmpi sge, %get3A_130, %get3A_49 : vector<16xi32>
      %jit3A_180 = arith.constant 0.000000e+00 : f32
      %broadcast_in_dim3A_181 = vector.broadcast %jit3A_180 : f32 to vector<16xf32>
      %select_n3A_182 = arith.select %ge3A, %get3A_134, %broadcast_in_dim3A_181 : vector<16xi1>, vector<16xf32>
      %add3A_183 = arith.constant 9.99999997E-7 : f32
      %add3A_184 = vector.broadcast %add3A_183 : f32 to vector<16xf32>
      %add3A_185 = arith.addf %mul3A_179, %add3A_184 : vector<16xf32>
      %div3A_186 = arith.divf %select_n3A_182, %add3A_185 : vector<16xf32>
      %mul3A_187 = arith.mulf %sub3A_140, %div3A_186 : vector<16xf32>
      %swap3A = arith.index_cast %mul3A_95 : i32 to index
      %swap3A_188 = tpu.vector_load %arg15[%swap3A] {strides = array<i32>} : memref<5120xf32, #tpu.memory_space<vmem>>, vector<16xf32>,
      tpu.vector_store %arg15[%swap3A], %mul3A_187 {strides = array<i32>} : memref<5120xf32, #tpu.memory_space<vmem>>, vector<16xf32>,
      %mul3A_189 = arith.mulf %sub3A_141, %div3A_186 : vector<16xf32>
      %swap3A_190 = arith.index_cast %mul3A_95 : i32 to index
      %swap3A_191 = tpu.vector_load %arg16[%swap3A_190] {strides = array<i32>} : memref<5120xf32, #tpu.memory_space<vmem>>, vector<16xf32>,
      tpu.vector_store %arg16[%swap3A_190], %mul3A_189 {strides = array<i32>} : memref<5120xf32, #tpu.memory_space<vmem>>, vector<16xf32>,
      %mul3A_192 = arith.mulf %sub3A_142, %div3A_186 : vector<16xf32>
      %swap3A_193 = arith.index_cast %mul3A_95 : i32 to index
      %swap3A_194 = tpu.vector_load %arg17[%swap3A_193] {strides = array<i32>} : memref<5120xf32, #tpu.memory_space<vmem>>, vector<16xf32>,
      tpu.vector_store %arg17[%swap3A_193], %mul3A_192 {strides = array<i32>} : memref<5120xf32, #tpu.memory_space<vmem>>, vector<16xf32>,
      %scan3A_195 = arith.constant 0 : i32
      scf.yield %scan3A_195 : i32
    }
    %scan3A_64 = arith.constant 320 : i32
    %scan3A_65 = arith.constant 0 : i32
    %scan3A_66 = arith.constant 0 : i32
    %scan3A_67 = arith.constant 40 : i32
    %scan3A_68 = arith.addi %scan3A_66, %scan3A_67 : i32
    %scan3A_69 = arith.constant 1 : i32
    %scan3A_70 = scf.for %scan3A_92 = %scan3A_66 to %scan3A_68 step %scan3A_69 iter_args(%scan3A_93 = %scan3A_65) -> (i32)  : i32 {
      %mul3A_94 = arith.constant 128 : i32
      %mul3A_95 = arith.muli %scan3A_92, %mul3A_94 : i32
      %dma_start3A_96 = tpu.memref_slice %arg15[%mul3A_95] : memref<5120xf32, #tpu.memory_space<vmem>> -> memref<128xf32, #tpu.memory_space<vmem>>
      %dma_start3A_97 = arith.constant 0 : i32
      %dma_start3A_98 = tpu.memref_slice %arg11[%scan3A_92, %dma_start3A_97] : memref<40x128xi32, #tpu.memory_space<vmem>> -> memref<1x128xi32, #tpu.memory_space<vmem>>
      %dma_start3A_99 = tpu.memref_squeeze %dma_start3A_98 : memref<1x128xi32, #tpu.memory_space<vmem>> -> memref<128xi32, #tpu.memory_space<vmem>>
      %dma_start3A_100 = arith.constant 0 : i32
      %dma_start3A_101 = tpu.memref_slice %arg18[%dma_start3A_100] : memref<10240xf32, #tpu.memory_space<vmem_shared>> -> memref<10240xf32, #tpu.memory_space<vmem_shared>>
      tpu.enqueue_indirect_dma source(%dma_start3A_96 : memref<128xf32, #tpu.memory_space<vmem>>) target(%dma_start3A_101 : memref<10240xf32, #tpu.memory_space<vmem_shared>>) offsets(%dma_start3A_99 : memref<128xi32, #tpu.memory_space<vmem>>) semaphore(%arg21 : memref<!tpu.dma_semaphore, #tpu.memory_space<semaphore_mem>>) {add = true}
      %mul3A_102 = arith.constant 128 : i32
      %mul3A_103 = arith.muli %scan3A_92, %mul3A_102 : i32
      %dma_start3A_104 = tpu.memref_slice %arg16[%mul3A_103] : memref<5120xf32, #tpu.memory_space<vmem>> -> memref<128xf32, #tpu.memory_space<vmem>>
      %dma_start3A_105 = arith.constant 0 : i32
      %dma_start3A_106 = tpu.memref_slice %arg11[%scan3A_92, %dma_start3A_105] : memref<40x128xi32, #tpu.memory_space<vmem>> -> memref<1x128xi32, #tpu.memory_space<vmem>>
      %dma_start3A_107 = tpu.memref_squeeze %dma_start3A_106 : memref<1x128xi32, #tpu.memory_space<vmem>> -> memref<128xi32, #tpu.memory_space<vmem>>
      %dma_start3A_108 = arith.constant 0 : i32
      %dma_start3A_109 = tpu.memref_slice %arg19[%dma_start3A_108] : memref<10240xf32, #tpu.memory_space<vmem_shared>> -> memref<10240xf32, #tpu.memory_space<vmem_shared>>
      tpu.enqueue_indirect_dma source(%dma_start3A_104 : memref<128xf32, #tpu.memory_space<vmem>>) target(%dma_start3A_109 : memref<10240xf32, #tpu.memory_space<vmem_shared>>) offsets(%dma_start3A_107 : memref<128xi32, #tpu.memory_space<vmem>>) semaphore(%arg21 : memref<!tpu.dma_semaphore, #tpu.memory_space<semaphore_mem>>) {add = true}
      %mul3A_110 = arith.constant 128 : i32
      %mul3A_111 = arith.muli %scan3A_92, %mul3A_110 : i32
      %dma_start3A_112 = tpu.memref_slice %arg17[%mul3A_111] : memref<5120xf32, #tpu.memory_space<vmem>> -> memref<128xf32, #tpu.memory_space<vmem>>
      %dma_start3A_113 = arith.constant 0 : i32
      %dma_start3A_114 = tpu.memref_slice %arg11[%scan3A_92, %dma_start3A_113] : memref<40x128xi32, #tpu.memory_space<vmem>> -> memref<1x128xi32, #tpu.memory_space<vmem>>
      %dma_start3A_115 = tpu.memref_squeeze %dma_start3A_114 : memref<1x128xi32, #tpu.memory_space<vmem>> -> memref<128xi32, #tpu.memory_space<vmem>>
      %dma_start3A_116 = arith.constant 0 : i32
      %dma_start3A_117 = tpu.memref_slice %arg20[%dma_start3A_116] : memref<10240xf32, #tpu.memory_space<vmem_shared>> -> memref<10240xf32, #tpu.memory_space<vmem_shared>>
      tpu.enqueue_indirect_dma source(%dma_start3A_112 : memref<128xf32, #tpu.memory_space<vmem>>) target(%dma_start3A_117 : memref<10240xf32, #tpu.memory_space<vmem_shared>>) offsets(%dma_start3A_115 : memref<128xi32, #tpu.memory_space<vmem>>) semaphore(%arg21 : memref<!tpu.dma_semaphore, #tpu.memory_space<semaphore_mem>>) {add = true}
      %dma_wait3A_118 = tpu.memref_slice %arg15[%mul3A_95] : memref<5120xf32, #tpu.memory_space<vmem>> -> memref<128xf32, #tpu.memory_space<vmem>>
      %dma_wait3A_119 = arith.constant 0 : i32
      %dma_wait3A_120 = tpu.memref_slice %arg11[%scan3A_92, %dma_wait3A_119] : memref<40x128xi32, #tpu.memory_space<vmem>> -> memref<1x128xi32, #tpu.memory_space<vmem>>
      %dma_wait3A_121 = tpu.memref_squeeze %dma_wait3A_120 : memref<1x128xi32, #tpu.memory_space<vmem>> -> memref<128xi32, #tpu.memory_space<vmem>>
      %dma_wait3A_122 = arith.constant 0 : i32
      %dma_wait3A_123 = tpu.memref_slice %arg18[%dma_wait3A_122] : memref<10240xf32, #tpu.memory_space<vmem_shared>> -> memref<10240xf32, #tpu.memory_space<vmem_shared>>
      tpu.wait_indirect_dma semaphore(%arg21 : memref<!tpu.dma_semaphore, #tpu.memory_space<semaphore_mem>>) src(%dma_wait3A_118 : memref<128xf32, #tpu.memory_space<vmem>>) dst(%dma_wait3A_123 : memref<10240xf32, #tpu.memory_space<vmem_shared>>)
      %dma_wait3A_124 = tpu.memref_slice %arg16[%mul3A_103] : memref<5120xf32, #tpu.memory_space<vmem>> -> memref<128xf32, #tpu.memory_space<vmem>>
      %dma_wait3A_125 = arith.constant 0 : i32
      %dma_wait3A_126 = tpu.memref_slice %arg11[%scan3A_92, %dma_wait3A_125] : memref<40x128xi32, #tpu.memory_space<vmem>> -> memref<1x128xi32, #tpu.memory_space<vmem>>
      %dma_wait3A_127 = tpu.memref_squeeze %dma_wait3A_126 : memref<1x128xi32, #tpu.memory_space<vmem>> -> memref<128xi32, #tpu.memory_space<vmem>>
      %dma_wait3A_128 = arith.constant 0 : i32
      %dma_wait3A_129 = tpu.memref_slice %arg19[%dma_wait3A_128] : memref<10240xf32, #tpu.memory_space<vmem_shared>> -> memref<10240xf32, #tpu.memory_space<vmem_shared>>
      tpu.wait_indirect_dma semaphore(%arg21 : memref<!tpu.dma_semaphore, #tpu.memory_space<semaphore_mem>>) src(%dma_wait3A_124 : memref<128xf32, #tpu.memory_space<vmem>>) dst(%dma_wait3A_129 : memref<10240xf32, #tpu.memory_space<vmem_shared>>)
      %dma_wait3A_130 = tpu.memref_slice %arg17[%mul3A_111] : memref<5120xf32, #tpu.memory_space<vmem>> -> memref<128xf32, #tpu.memory_space<vmem>>
      %dma_wait3A_131 = arith.constant 0 : i32
      %dma_wait3A_132 = tpu.memref_slice %arg11[%scan3A_92, %dma_wait3A_131] : memref<40x128xi32, #tpu.memory_space<vmem>> -> memref<1x128xi32, #tpu.memory_space<vmem>>
      %dma_wait3A_133 = tpu.memref_squeeze %dma_wait3A_132 : memref<1x128xi32, #tpu.memory_space<vmem>> -> memref<128xi32, #tpu.memory_space<vmem>>
      %dma_wait3A_134 = arith.constant 0 : i32
      %dma_wait3A_135 = tpu.memref_slice %arg20[%dma_wait3A_134] : memref<10240xf32, #tpu.memory_space<vmem_shared>> -> memref<10240xf32, #tpu.memory_space<vmem_shared>>
      tpu.wait_indirect_dma semaphore(%arg21 : memref<!tpu.dma_semaphore, #tpu.memory_space<semaphore_mem>>) src(%dma_wait3A_130 : memref<128xf32, #tpu.memory_space<vmem>>) dst(%dma_wait3A_135 : memref<10240xf32, #tpu.memory_space<vmem_shared>>)
      %scan3A_136 = arith.constant 0 : i32
      scf.yield %scan3A_136 : i32
    }
    %scan3A_71 = arith.constant 40 : i32
    %barrier3A_72 = arith.constant 0 : index
    tpu.barrier barrier_id(%barrier3A_72)
    %mul3A_73 = arith.constant 30720 : i32
    %mul3A_74 = arith.muli %arg0, %mul3A_73 : i32
    %add3A_75 = arith.addi %mul3A_74, %mul3A_57 : i32
    %dma_start3A_76 = tpu.memref_slice %arg7[%add3A_75] : memref<61440xf32, #tpu.memory_space<hbm>> -> memref<640xf32, #tpu.memory_space<hbm>>
    %dma_start3A_77 = tpu.memref_slice %arg18[%mul3A_57] : memref<10240xf32, #tpu.memory_space<vmem_shared>> -> memref<640xf32, #tpu.memory_space<vmem_shared>>
    tpu.enqueue_dma source(%dma_start3A_77 : memref<640xf32, #tpu.memory_space<vmem_shared>>) target(%dma_start3A_76 : memref<640xf32, #tpu.memory_space<hbm>>) target_semaphore(%arg21 : memref<!tpu.dma_semaphore, #tpu.memory_space<semaphore_mem>>)
    %add3A_78 = arith.constant 10240 : i32
    %add3A_79 = arith.addi %add3A_75, %add3A_78 : i32
    %dma_start3A_80 = tpu.memref_slice %arg7[%add3A_79] : memref<61440xf32, #tpu.memory_space<hbm>> -> memref<640xf32, #tpu.memory_space<hbm>>
    %dma_start3A_81 = tpu.memref_slice %arg19[%mul3A_57] : memref<10240xf32, #tpu.memory_space<vmem_shared>> -> memref<640xf32, #tpu.memory_space<vmem_shared>>
    tpu.enqueue_dma source(%dma_start3A_81 : memref<640xf32, #tpu.memory_space<vmem_shared>>) target(%dma_start3A_80 : memref<640xf32, #tpu.memory_space<hbm>>) target_semaphore(%arg21 : memref<!tpu.dma_semaphore, #tpu.memory_space<semaphore_mem>>)
    %add3A_82 = arith.constant 20480 : i32
    %add3A_83 = arith.addi %add3A_75, %add3A_82 : i32
    %dma_start3A_84 = tpu.memref_slice %arg7[%add3A_83] : memref<61440xf32, #tpu.memory_space<hbm>> -> memref<640xf32, #tpu.memory_space<hbm>>
    %dma_start3A_85 = tpu.memref_slice %arg20[%mul3A_57] : memref<10240xf32, #tpu.memory_space<vmem_shared>> -> memref<640xf32, #tpu.memory_space<vmem_shared>>
    tpu.enqueue_dma source(%dma_start3A_85 : memref<640xf32, #tpu.memory_space<vmem_shared>>) target(%dma_start3A_84 : memref<640xf32, #tpu.memory_space<hbm>>) target_semaphore(%arg21 : memref<!tpu.dma_semaphore, #tpu.memory_space<semaphore_mem>>)
    %dma_wait3A_86 = tpu.memref_slice %arg7[%add3A_75] : memref<61440xf32, #tpu.memory_space<hbm>> -> memref<640xf32, #tpu.memory_space<hbm>>
    %dma_wait3A_87 = tpu.memref_slice %arg18[%mul3A_57] : memref<10240xf32, #tpu.memory_space<vmem_shared>> -> memref<640xf32, #tpu.memory_space<vmem_shared>>
    tpu.wait_dma2 semaphore(%arg21 : memref<!tpu.dma_semaphore, #tpu.memory_space<semaphore_mem>>) src(%dma_wait3A_87 : memref<640xf32, #tpu.memory_space<vmem_shared>>) dst(%dma_wait3A_86 : memref<640xf32, #tpu.memory_space<hbm>>)
    %dma_wait3A_88 = tpu.memref_slice %arg7[%add3A_79] : memref<61440xf32, #tpu.memory_space<hbm>> -> memref<640xf32, #tpu.memory_space<hbm>>
    %dma_wait3A_89 = tpu.memref_slice %arg19[%mul3A_57] : memref<10240xf32, #tpu.memory_space<vmem_shared>> -> memref<640xf32, #tpu.memory_space<vmem_shared>>
    tpu.wait_dma2 semaphore(%arg21 : memref<!tpu.dma_semaphore, #tpu.memory_space<semaphore_mem>>) src(%dma_wait3A_89 : memref<640xf32, #tpu.memory_space<vmem_shared>>) dst(%dma_wait3A_88 : memref<640xf32, #tpu.memory_space<hbm>>)
    %dma_wait3A_90 = tpu.memref_slice %arg7[%add3A_83] : memref<61440xf32, #tpu.memory_space<hbm>> -> memref<640xf32, #tpu.memory_space<hbm>>
    %dma_wait3A_91 = tpu.memref_slice %arg20[%mul3A_57] : memref<10240xf32, #tpu.memory_space<vmem_shared>> -> memref<640xf32, #tpu.memory_space<vmem_shared>>
    tpu.wait_dma2 semaphore(%arg21 : memref<!tpu.dma_semaphore, #tpu.memory_space<semaphore_mem>>) src(%dma_wait3A_91 : memref<640xf32, #tpu.memory_space<vmem_shared>>) dst(%dma_wait3A_90 : memref<640xf32, #tpu.memory_space<hbm>>)
    return
  }
}

module attributes {stable_mosaic.version = 14 : i64} {
  func.func @_mlp_body(%arg0: i32, %arg1: memref<8000x256xf32, #tpu.memory_space<vmem>>, %arg2: memref<256x128xf32, #tpu.memory_space<vmem>>, %arg3: memref<1x128xf32, #tpu.memory_space<vmem>>, %arg4: memref<128x1xf32, #tpu.memory_space<vmem>>, %arg5: memref<1xf32, #tpu.memory_space<smem>>, %arg6: memref<8000x1xf32, #tpu.memory_space<vmem>>) attributes {dimension_semantics = [#tpu.dimension_semantics<parallel>], iteration_bounds = array<i64: 20>, scalar_prefetch = 0 : i64, scratch_operands = 0 : i64, tpu.core_type = #tpu.core_type<tc>, window_params = [{transform_indices = @transform_0, window_bounds = array<i64: 8000, 256>}, {pipeline_mode = #tpu.pipeline_mode<synchronous>, transform_indices = @transform_1, window_bounds = array<i64: 256, 128>}, {pipeline_mode = #tpu.pipeline_mode<synchronous>, transform_indices = @transform_2, window_bounds = array<i64: 1, 128>}, {pipeline_mode = #tpu.pipeline_mode<synchronous>, transform_indices = @transform_3, window_bounds = array<i64: 128, 1>}, {transform_indices = @transform_4, window_bounds = array<i64: 1>}, {transform_indices = @transform_5, window_bounds = array<i64: 8000, 1>}]} {
    %get3A = arith.constant 0 : index
    %get3A_0 = arith.constant 0 : index
    %get3A_1 = vector.load %arg1[%get3A, %get3A_0] : memref<8000x256xf32, #tpu.memory_space<vmem>>, vector<8000x256xf32>
    %get3A_2 = arith.constant 0 : index
    %get3A_3 = arith.constant 0 : index
    %get3A_4 = vector.load %arg2[%get3A_2, %get3A_3] : memref<256x128xf32, #tpu.memory_space<vmem>>, vector<256x128xf32>
    %dot_general3A = arith.constant dense<0.000000e+00> : vector<8000x128xf32>
    %dot_general3A_5 = tpu.matmul %get3A_1, %get3A_4, %dot_general3A {dimension_numbers = #tpu.dot_dimension_numbers<[1], [0], [0], [1], [0, 0, 1, 1], [], []>, transpose_lhs_hint = false} : vector<8000x256xf32>, vector<256x128xf32>, vector<8000x128xf32> -> vector<8000x128xf32>
    %get3A_6 = arith.constant 0 : index
    %get3A_7 = arith.constant 0 : index
    %get3A_8 = vector.load %arg3[%get3A_6, %get3A_7] : memref<1x128xf32, #tpu.memory_space<vmem>>, vector<1x128xf32>
    %add3A = vector.broadcast %get3A_8 : vector<1x128xf32> to vector<8000x128xf32>
    %add3A_9 = arith.addf %dot_general3A_5, %add3A : vector<8000x128xf32>
    %ge3A = arith.constant 0.000000e+00 : f32
    %ge3A_10 = vector.broadcast %ge3A : f32 to vector<8000x128xf32>
    %ge3A_11 = arith.cmpf oge, %add3A_9, %ge3A_10 : vector<8000x128xf32>
    %mul3A = arith.constant 0.00999999977 : f32
    %mul3A_12 = vector.broadcast %mul3A : f32 to vector<8000x128xf32>
    %mul3A_13 = arith.mulf %mul3A_12, %add3A_9 : vector<8000x128xf32>
    %select_n3A = arith.select %ge3A_11, %add3A_9, %mul3A_13 : vector<8000x128xi1>, vector<8000x128xf32>
    %get3A_14 = arith.constant 0 : index
    %get3A_15 = arith.constant 0 : index
    %get3A_16 = vector.load %arg4[%get3A_14, %get3A_15] : memref<128x1xf32, #tpu.memory_space<vmem>>, vector<128x1xf32>
    %dot_general3A_17 = arith.constant dense<0.000000e+00> : vector<8000x1xf32>
    %dot_general3A_18 = tpu.matmul %select_n3A, %get3A_16, %dot_general3A_17 {dimension_numbers = #tpu.dot_dimension_numbers<[1], [0], [0], [1], [0, 0, 1, 1], [], []>, transpose_lhs_hint = false} : vector<8000x128xf32>, vector<128x1xf32>, vector<8000x1xf32> -> vector<8000x1xf32>
    %get3A_19 = arith.constant 0 : index
    %get3A_20 = memref.load %arg5[%get3A_19] : memref<1xf32, #tpu.memory_space<smem>>
    %add3A_21 = vector.broadcast %get3A_20 : f32 to vector<8000x1xf32>
    %add3A_22 = arith.addf %dot_general3A_18, %add3A_21 : vector<8000x1xf32>
    %swap3A = arith.constant 0 : index
    %swap3A_23 = arith.constant 0 : index
    %swap3A_24 = vector.load %arg6[%swap3A, %swap3A_23] : memref<8000x1xf32, #tpu.memory_space<vmem>>, vector<8000x1xf32>
    tpu.vector_store %arg6[%swap3A, %swap3A_23], %add3A_22 {strides = array<i32>} : memref<8000x1xf32, #tpu.memory_space<vmem>>, vector<8000x1xf32>,
    return
  }
  func.func @transform_0(%arg0: i32) -> (i32, i32) {
    %c0_i32 = arith.constant 0 : i32
    %c0_i32_0 = arith.constant 0 : i32
    return %arg0, %c0_i32 : i32, i32
  }
  func.func @transform_1(%arg0: i32) -> (i32, i32) {
    %c0_i32 = arith.constant 0 : i32
    %c0_i32_0 = arith.constant 0 : i32
    %c0_i32_1 = arith.constant 0 : i32
    return %c0_i32, %c0_i32_0 : i32, i32
  }
  func.func @transform_2(%arg0: i32) -> (i32, i32) {
    %c0_i32 = arith.constant 0 : i32
    %c0_i32_0 = arith.constant 0 : i32
    %c0_i32_1 = arith.constant 0 : i32
    return %c0_i32, %c0_i32_0 : i32, i32
  }
  func.func @transform_3(%arg0: i32) -> (i32, i32) {
    %c0_i32 = arith.constant 0 : i32
    %c0_i32_0 = arith.constant 0 : i32
    %c0_i32_1 = arith.constant 0 : i32
    return %c0_i32, %c0_i32_0 : i32, i32
  }
  func.func @transform_4(%arg0: i32) -> i32 {
    %c0_i32 = arith.constant 0 : i32
    %c0_i32_0 = arith.constant 0 : i32
    return %c0_i32 : i32
  }
  func.func @transform_5(%arg0: i32) -> (i32, i32) {
    %c0_i32 = arith.constant 0 : i32
    %c0_i32_0 = arith.constant 0 : i32
    return %arg0, %c0_i32 : i32, i32
  }
}

</mosaic_0001>

<sc_bundles>
// kernel: kernel.4.cloned.1.call-start
scs
__scs_entry_jumppad:
0x0: {  	(pc) =	sbr.rel $0x88, $3  }
0x1: {  	(tag) =	ssettag $0x0;
	lr =	simm.s32 $0x1  }
0x2: {  	[smem:$0x3F98] =	sst lr;
	_ =	strace $0xD0000000  }
0x3: {  	_ = 	snop  }
0x4: {  	_ = 	snop  }
0x5: {  	_ = 	snop  }
0x6: {  	_ = 	snop  }
0x7: {  	_ = 	snop  }
__scs_overlays_trampoline_lowered:
0x8: {  	[smem:$0x3FA7] =	sst s0  }
0x9: {  	[smem:$0x3FA8] =	sst s1  }
0xa: {  	[smem:$0x3FA9] =	sst s2  }
0xb: {  	[smem:$0x3FAA] =	sst s3  }
0xc: {  	[smem:$0x3FAB] =	sst s4  }
0xd: {  	[smem:$0x3FAC] =	sst s5  }
0xe: {  	[smem:$0x3FAD] =	sst s6  }
0xf: {  	[smem:$0x3FAE] =	sst s7  }
0x10: {  	[smem:$0x3FAF] =	sst s8  }
0x11: {  	[smem:$0x3FB0] =	sst s9;
	s0 =	simm.s32 @!p0 $0x0  }
0x12: {  	s1 =	sld [smem:$0x3F96];
	s0 =	simm.s32 @p0 $0x1  }
0x13: {  	[smem:$0x3FB1] =	sst s0;
	s0 =	simm.s32 @!p1 $0x0  }
0x14: {  	s2 =	sld [smem:$0x3F95];
	s0 =	simm.s32 @p1 $0x1  }
0x15: {  	[smem:$0x3FB2] =	sst s0;
	s0 =	simm.s32 @!p2 $0x0  }
0x16: {  	s3 =	sld [smem:$0x3FDB];
	s0 =	simm.s32 @p2 $0x1  }
0x17: {  	s4 =	simm.s32 $0x1BF5;
	[smem:$0x3FB4] =	sst s0  }
0x18: {  	s0 =	sld [smem:$0x3F97];
	_ =	swait.ge [sflag:s4], $0x0  }
0x19: {  	s7 =	sld [smem:$0x3F98]  }
0x1a: {  	s8 =	sadd.s32 $0xFFFFE003, lr  }
0x1b: {  	s9 =	sadd.s32 $0xFFFFFEF7, lr;
	s5 =	simm.s32 $0xFFFFFFFF;
	p2 =	slt.u32 s8, $0xFFFFF086  }
0x1c: {  	p1 =	slt.u32 s9, $0xF7A;
	s5 =	simm.s32 @!p2 $0x0  }
0x1d: {  	s5 =	simm.s32 @p1 $0x1;
	p0 =	seq.s32 s7, s2  }
0x1e: {  	s7 =	smul.u32 @!p0 $0xF7A, s2;
	p2 =	seq.s32 @!p0 s5, $0x0  }
0x1f: {  	s9 =	smul.u32 $0xF7A, s1;
	s8 =	simm.s32 @!p0 $0x1BF5;
	p2 =	por !p2, p0  }
0x20: {  	[sflag:s8] =	ssyncset.s32 @!p0 $0xFFFFF086;
	s6 =	sadd.s32 @!p0 s3, s7;
	s7 =	simm.s32 @!p0 $0x108  }
0x21: {  	s3 =	sadd.s32 s3, s9;
	s6 =	sadd.s32 @!p0 $0x88, s6;
	s7 =	simm.s32 @p2 $0x1082  }
0x22: {  	[simem:s7], [sflag:s8] =	dma.local @!p0 [hbm:s6], $0xF7A  }
0x23: {  	s9 =	sor.u32 $0xD0000000, s2;
	s6 =	simm.s32 $0x108;
	_ =	swait.ge @!p0 [sflag:s8], $0x0  }
0x24: {  	s3 =	sadd.s32 $0x88, s3;
	s6 =	simm.s32 @!p1 $0x1082;
	[sflag:s4] =	ssyncset.s32 $0xFFFFF086  }
0x25: {  	[simem:s6], [sflag:s4] =	dma.local [hbm:s3], $0xF7A  }
0x26: {  	[smem:$0x3F98] =	sst s1;
	(tag) =	ssettag s2;
	_ =	strace s9  }
0x27: {  	s1 =	sld [smem:$0x3FA8]  }
0x28: {  	s2 =	sld [smem:$0x3FA9]  }
0x29: {  	s4 =	sld [smem:$0x3FAB]  }
0x2a: {  	p0 =	seq.s32 s5, $0x0;
	s5 =	sld [smem:$0x3FAC]  }
0x2b: {  	s6 =	sld [smem:$0x3FAD]  }
0x2c: {  	s7 =	sld [smem:$0x3FAE]  }
0x2d: {  	s3 =	simm.s32 $0x108;
	s8 =	sld [smem:$0x3FAF]  }
0x2e: {  	s3 =	simm.s32 @!p0 $0x1082;
	s9 =	sld [smem:$0x3FB0]  }
0x2f: {  	lr =	sadd.s32 s0, s3;
	s0 =	sld [smem:$0x3FA7]  }
0x30: {  	s3 =	sld [smem:$0x3FAA]  }
0x31: {  	[smem:$0x3FB3] =	sst s10  }
0x32: {  	s10 =	sld [smem:$0x3FB1];
	_ =	sdelay $0x3  }
0x33: {  	p0 =	seq.s32 s10, $0x1;
	s10 =	sld [smem:$0x3FB3];
	_ =	sdelay $0x3  }
0x34: {  	[smem:$0x3FB3] =	sst s10  }
0x35: {  	s10 =	sld [smem:$0x3FB2];
	_ =	sdelay $0x3  }
0x36: {  	p1 =	seq.s32 s10, $0x1;
	s10 =	sld [smem:$0x3FB3];
	_ =	sdelay $0x3  }
0x37: {  	[smem:$0x3FB3] =	sst s10  }
0x38: {  	s10 =	sld [smem:$0x3FB4]  }
0x39: {  	_ = 	snop;
	(pc) =	sbr.ind lr, $3  }
0x3a: {  	_ = 	snop  }
0x3b: {  	_ = 	snop  }
0x3c: {  	p2 =	seq.s32 s10, $0x1;
	s10 =	sld [smem:$0x3FB3]  }
0x3d: {  	_ =	shalt  }
0x3e: {  	_ =	shalt  }
0x3f: {  	_ =	shalt  }
0x40: {  	_ =	shalt  }
0x41: {  	_ =	shalt  }
0x42: {  	_ =	shalt  }
0x43: {  	_ =	shalt  }
0x44: {  	_ =	shalt  }
0x45: {  	_ =	shalt  }
0x46: {  	_ =	shalt  }
0x47: {  	_ =	shalt  }
0x48: {  	_ =	shalt  }
0x49: {  	_ =	shalt  }
0x4a: {  	_ =	shalt  }
0x4b: {  	_ =	shalt  }
0x4c: {  	_ =	shalt  }
0x4d: {  	_ =	shalt  }
0x4e: {  	_ =	shalt  }
0x4f: {  	_ =	shalt  }
0x50: {  	_ =	shalt  }
0x51: {  	_ =	shalt  }
0x52: {  	_ =	shalt  }
0x53: {  	_ =	shalt  }
0x54: {  	_ =	shalt  }
0x55: {  	_ =	shalt  }
0x56: {  	_ =	shalt  }
0x57: {  	_ =	shalt  }
0x58: {  	_ =	shalt  }
0x59: {  	_ =	shalt  }
0x5a: {  	_ =	shalt  }
0x5b: {  	_ =	shalt  }
0x5c: {  	_ =	shalt  }
0x5d: {  	_ =	shalt  }
0x5e: {  	_ =	shalt  }
0x5f: {  	_ =	shalt  }
0x60: {  	_ =	shalt  }
0x61: {  	_ =	shalt  }
0x62: {  	_ =	shalt  }
0x63: {  	_ =	shalt  }
0x64: {  	_ =	shalt  }
0x65: {  	_ =	shalt  }
0x66: {  	_ =	shalt  }
0x67: {  	_ =	shalt  }
0x68: {  	_ =	shalt  }
0x69: {  	_ =	shalt  }
0x6a: {  	_ =	shalt  }
0x6b: {  	_ =	shalt  }
0x6c: {  	_ =	shalt  }
0x6d: {  	_ =	shalt  }
0x6e: {  	_ =	shalt  }
0x6f: {  	_ =	shalt  }
0x70: {  	_ =	shalt  }
0x71: {  	_ =	shalt  }
0x72: {  	_ =	shalt  }
0x73: {  	_ =	shalt  }
0x74: {  	_ =	shalt  }
0x75: {  	_ =	shalt  }
0x76: {  	_ =	shalt  }
0x77: {  	_ =	shalt  }
0x78: {  	_ =	shalt  }
0x79: {  	_ =	shalt  }
0x7a: {  	_ =	shalt  }
0x7b: {  	_ =	shalt  }
0x7c: {  	_ =	shalt  }
0x7d: {  	_ =	shalt  }
0x7e: {  	_ =	shalt  }
0x7f: {  	_ =	shalt  }
0x80: {  	_ =	shalt  }
0x81: {  	_ =	shalt  }
0x82: {  	_ =	shalt  }
0x83: {  	_ =	shalt  }
0x84: {  	_ =	shalt  }
0x85: {  	_ =	shalt  }
0x86: {  	_ =	shalt  }
0x87: {  	_ =	shalt  }
.Lfunc_end0:
.L_simem_size_0:
called_computation_lowered:
.L_overlay_start_0:
0x88: {  	s2 =	sld [smem:$0x3FD9]  }
0x89: {  	s3 =	sld [smem:$0x3FFE];
	_ =	sdelay $0x1  }
0x8a: {  	s1 =	srdreg.scid  }
0x8b: {  	s0 =	sand.u32 $0x1, s1  }
0x8c: {  	s17 =	sshll.u32 s0, $0xA;
	s2 =	sadd.s32 s3, s2  }
0x8d: {  	s2 =	sadd.s32 s2, s17  }
0x8e: {  	[smem:$0x3FBF] =	sst s2  }
0x8f: {  	_ = 	snop  }
0x90: {  	s2 =	sld [smem:$0x3FD0];
	(tm) =	ssettm $0x1  }
0x91: {  	s18 =	sld [smem:$0x3FFB];
	_ =	sdelay $0x3  }
0x92: {  	_ =	strace s18  }
0x93: {  	s3 =	sld [smem:$0x3FFC];
	_ =	sdelay $0x3  }
0x94: {  	_ =	strace s3  }
0x95: {  	s3 =	sld [smem:$0x3FFD];
	_ =	sdelay $0x3  }
0x96: {  	_ =	strace s3  }
0x97: {  	_ =	strace $0x8FFFFFFF  }
0x98: {  	s19 =	sld [smem:$0x3FDB];
	_ =	sdelay $0x1  }
0x99: {  	s4 =	simm.s32 $_scs_section_size  }
0x9a: {  	s5 =	simm.s32 $_size__tile_overlayer_lowered;
	s6 =	simm.s32 $_tile_overlayer_lowered  }
0x9b: {  	s22 =	simm.s32 $0x1BFF;
	s21 =	sshll.u32 s6, $0x1;
	s3 =	sadd.s32 s4, s19  }
0x9c: {  	s7 =	simm.s32 $0x0;
	s20 =	sshll.u32 s5, $0x1;
	s5 =	sadd.s32 s21, s3  }
0x9d: {  	[timem:s7], [sflag:s22] =	dma.local [hbm:s5], s20  }
0x9e: {  	_ =	swait.ge [sflag:s22], s20  }
0x9f: {  	s4 =	ssub.s32 $0x0, s20;
	[sflag:s22] =	ssyncset.done $0x0  }
0xa0: {  	[sflag:s22] =	ssyncadd.s32 s4;
	_ =	sdelay $0x1  }
0xa1: {  	s23 =	simm.s32 $0x1B8B  }
0xa2: {  	_ =	swait.ge [sflag:s23], $0x1  }
0xa3: {  	[sflag:s23] =	ssyncset.done $0x0  }
0xa4: {  	s25 =	simm.s32 $0x1B8E;
	s24 =	sld [smem:$0x3FFE];
	[sflag:s23] =	ssyncadd.s32 $0xFFFFFFFF  }
0xa5: {  	s26 =	simm.s32 $execute0_lowered;
	[smem:$0x3FD2] =	sst s25  }
0xa6: {  	s5 =	sshll.u32 s26, $0x1;
	_ =	strace $0x80000046;
	[dreg:$0x1] =	wrdreg $0xFFFFFFFF  }
0xa7: {  	s28 =	simm.s32 $_size_execute0_lowered;
	s3 =	sadd.s32 s3, s5;
	[dreg:$0x0] =	wrdreg $0x0  }
0xa8: {  	s5 =	sshll.u32 s28, $0x1;
	[dreg:$0x2] =	wrdreg s3  }
0xa9: {  	[dreg:$0x3] =	wrdreg s5  }
0xaa: {  	[dreg:$0x4] =	wrdreg $0xC0  }
0xab: {  	_ =	task [dreg:s7], $0x5FFFF  }
0xac: {  	[dreg:$0x1] =	wrdreg $0xFFFFFFFF  }
0xad: {  	[dreg:$0x0] =	wrdreg $0x60  }
0xae: {  	[dreg:$0x2] =	wrdreg s2  }
0xaf: {  	[dreg:$0x3] =	wrdreg s24  }
0xb0: {  	[dreg:$0x4] =	wrdreg $0xF0800  }
0xb1: {  	[dreg:$0x5] =	wrdreg $0xF3000  }
0xb2: {  	[dreg:$0x6] =	wrdreg $0xF5800  }
0xb3: {  	[dreg:$0x7] =	wrdreg $0x9  }
0xb4: {  	_ =	task.clear_ibuf [dreg:s7], $0x8FFFF;
	_ =	strace $0x90000046  }
0xb5: {  	s29 =	simm.s32 $0x9;
	_ =	strace $0x80000048  }
0xb6: {  	_ =	swait.ge [sflag:s29], $0x1  }
0xb7: {  	[sflag:s29] =	ssyncadd.s32 $0xFFFFFFFF  }
0xb8: {  	_ =	strace $0x90000048  }
0xb9: {  	_ =	sfence  }
0xba: {  	s30 =	sld [smem:$0x0];
	_ =	sdelay $0x2  }
0xbb: {  	s31 =	sshll.u32 s1, $0xD;
	s1 =	sshrl.u32 s1, $0x2  }
0xbc: {  	s3 =	sand.u32 $0x4000, s31;
	s1 =	sadd.s32 s1, s30  }
0xbd: {  	s0 =	sor.u32 s3, s0;
	s1 =	sshll.u32 s1, $0x11  }
0xbe: {  	s0 =	sor.u32 s1, s0  }
0xbf: {  	s0 =	sadd.s32 $0x8F2B, s0  }
0xc0: {  	[sflag:s0] =	ssyncadd.remote.s32 $0x1  }
0xc1: {  	_ =	sfence.sel $0xFFFF  }
0xc2: {  	[dreg:$0x0] =	wrdreg $0xFFFFFFFF;
	(pc) =	sbr.abs _section_cstart, $3  }
0xc3: {  	[dreg:$0x1] =	wrdreg $0xFFFFFFFF  }
0xc4: {  	_ =	task.clear_ibuf [dreg:s7], $0x2FFFF;
	_ =	strace $0x9FFFFFFF  }
0xc5: {  	(tm) =	ssettm $0x7FFFFFFF  }
tec
execute0_lowered:
.L_overlay_start_1:
0x0: {  	(tag) =	ssettag $0x1  }
0x1: {  	s11 =	rddreg [dreg:$0x0]  }
0x2: {  	s0 =	rddreg [dreg:$0x1]  }
0x3: {  	s2 =	rddreg [dreg:$0x2]  }
0x4: {  	s4 =	rddreg [dreg:$0x3]  }
0x5: {  	s1 =	srdreg.scid;
	s8 =	stileid.u32  }
0x6: {  	s5 =	rddreg [dreg:$0x4];
	s6 =	simm.s32 $0x0;
	s20 =	simm.s32 $0x2800  }
0x7: {  	s21 =	simm.s32 $0x5000;
	s28 =	simm.s32 $0xB480;
	s29 =	simm.s32 $0x2  }
0x8: {  	s30 =	simm.s32 $0x80;
	s31 =	simm.s32 $0x0;
	s1 =	sand.u32 $0x1, s1  }
0x9: {  	s3 =	smul.u32 $0x280, s8;
	[smem:$0x7FF] =	sst s6;
	s8 =	sshll.u32 s8, $0x1  }
0xa: {  	s7 =	smul.u32 $0x7800, s1;
	s8 =	sor.u32 s1, s8;
	s1 =	ssub.s32 $0x2, s1  }
0xb: {  	_ =	strace $0x80000047;
	s10 =	smul.u32 $0x280, s8;
	s26 =	sshrl.u32 s1, $0x1  }
0xc: {  	s8 =	sadd.s32 $0x500, s11;
	s13 =	sadd.s32 s3, s2;
	s14 =	sadd.s32 s3, s4  }
0xd: {  	s15 =	sadd.s32 s3, s5;
	s7 =	sadd.s32 s3, s7;
	s1 =	ssub.s32 s1, s26  }
0xe: {  	s26 =	simm.s32 $0x1;
	s9 =	sshrl.u32 s7, $0x3;
	s7 =	sadd.s32 $0xF000, s0  }
0xf: {  	s19 =	smax.u32 s1, $0x1;
	s18 =	sadd.s32 s9, s0;
	s9 =	sadd.s32 s0, s10  }
0x10: {  	s10 =	sadd.s32 $0xA00, s11;
	s11 =	sadd.s32 $0x5000, s9;
	s12 =	sadd.s32 $0xA000, s9  }
0x11: {  	v0 =	vimm.f32 $0.0e+00;
	s16 =	sadd.s32 $0xF200, s18;
	s17 =	sadd.s32 $0xF700, s18;
	s18 =	sadd.s32 $0xFC00, s18  }
.LBB2_1:
0x12: {  	s0 =	rddreg [dreg:$0x0]  }
0x13: {  	[tilespmem:s6], [sflag:$0x1] =	stream.linear.gather [hbm4b:s0+s6], $0x2800, $0x38;
	[tilespmem:$0xF800] =	vst v63  }
0x14: {  	_ = 	snop  }
0x15: {  	[tilespmem:s20], [sflag:$0x1] =	stream.linear.gather [hbm4b:s8+s6], $0x2800, $0x38;
	[tilespmem:$0xF800] =	vst v63  }
0x16: {  	_ = 	snop  }
0x17: {  	[tilespmem:s21], [sflag:$0x1] =	stream.linear.gather [hbm4b:s10+s6], $0x2800, $0x38;
	[tilespmem:$0xF800] =	vst v63  }
0x18: {  	s3 =	simm.s32 $0x7800  }
0x19: {  	[tilespmem:s3], [sflag:$0x1] =	stream.linear.gather [hbm4b:s9+s6], $0x1400, $0x38;
	[tilespmem:$0xF800] =	vst v63  }
0x1a: {  	s22 =	simm.s32 $0x8C00  }
0x1b: {  	[tilespmem:s22], [sflag:$0x1] =	stream.linear.gather [hbm4b:s11+s6], $0x1400, $0x38;
	[tilespmem:$0xF800] =	vst v63  }
0x1c: {  	s23 =	simm.s32 $0xA000  }
0x1d: {  	[tilespmem:s23], [sflag:$0x1] =	stream.linear.gather [hbm4b:s12+s6], $0x1400, $0x38;
	[tilespmem:$0xF800] =	vst v63  }
0x1e: {  	s24 =	simm.s32 $0xB400  }
0x1f: {  	[tilespmem:s24], [sflag:$0x1] =	stream.linear.gather [hbm4b:s7+s6], $0x80, $0x38;
	[tilespmem:$0xF800] =	vst v63  }
0x20: {  	_ =	swait.ge [sflag:s26], $0x2800  }
0x21: {  	[sflag:s26] =	ssyncset.done $0x0  }
0x22: {  	[sflag:s26] =	ssyncadd.s32 $0xFFFFD800  }
0x23: {  	_ =	swait.ge [sflag:s26], $0x2800  }
0x24: {  	[sflag:s26] =	ssyncset.done $0x0  }
0x25: {  	[sflag:s26] =	ssyncadd.s32 $0xFFFFD800  }
0x26: {  	_ =	swait.ge [sflag:s26], $0x2800  }
0x27: {  	[sflag:s26] =	ssyncset.done $0x0  }
0x28: {  	[sflag:s26] =	ssyncadd.s32 $0xFFFFD800  }
0x29: {  	_ =	swait.ge [sflag:s26], $0x1400  }
0x2a: {  	[sflag:s26] =	ssyncset.done $0x0  }
0x2b: {  	[sflag:s26] =	ssyncadd.s32 $0xFFFFEC00  }
0x2c: {  	_ =	swait.ge [sflag:s26], $0x1400  }
0x2d: {  	[sflag:s26] =	ssyncset.done $0x0  }
0x2e: {  	[sflag:s26] =	ssyncadd.s32 $0xFFFFEC00  }
0x2f: {  	_ =	swait.ge [sflag:s26], $0x1400  }
0x30: {  	[sflag:s26] =	ssyncset.done $0x0  }
0x31: {  	[sflag:s26] =	ssyncadd.s32 $0xFFFFEC00  }
0x32: {  	_ =	swait.ge [sflag:s26], $0x80  }
0x33: {  	[sflag:s26] =	ssyncset.done $0x0  }
0x34: {  	[sflag:s26] =	ssyncadd.s32 $0xFFFFFF80  }
0x35: {  	[tilespmem:$0xB480] =	vst v0  }
0x36: {  	[tilespmem:$0xB490] =	vst v0  }
0x37: {  	[tilespmem:$0xB4A0] =	vst v0  }
0x38: {  	[tilespmem:$0xB4B0] =	vst v0  }
0x39: {  	[tilespmem:$0xB4C0] =	vst v0  }
0x3a: {  	[tilespmem:$0xB4D0] =	vst v0  }
0x3b: {  	[tilespmem:$0xB4E0] =	vst v0  }
0x3c: {  	[tilespmem:$0xB4F0] =	vst v0  }
0x3d: {  	[tilespmem:$0xB500] =	vst v0  }
0x3e: {  	[tilespmem:$0xB510] =	vst v0  }
0x3f: {  	[tilespmem:$0xB520] =	vst v0  }
0x40: {  	[tilespmem:$0xB530] =	vst v0  }
0x41: {  	[tilespmem:$0xB540] =	vst v0  }
0x42: {  	[tilespmem:$0xB550] =	vst v0  }
0x43: {  	[tilespmem:$0xB560] =	vst v0  }
0x44: {  	[tilespmem:$0xB570] =	vst v0  }
0x45: {  	[tilespmem:$0xB580] =	vst v0  }
0x46: {  	[tilespmem:$0xB590] =	vst v0  }
0x47: {  	[tilespmem:$0xB5A0] =	vst v0  }
0x48: {  	[tilespmem:$0xB5B0] =	vst v0  }
0x49: {  	[tilespmem:$0xB5C0] =	vst v0  }
0x4a: {  	[tilespmem:$0xB5D0] =	vst v0  }
0x4b: {  	[tilespmem:$0xB5E0] =	vst v0  }
0x4c: {  	[tilespmem:$0xB5F0] =	vst v0  }
0x4d: {  	[tilespmem:$0xB600] =	vst v0  }
0x4e: {  	[tilespmem:$0xB610] =	vst v0  }
0x4f: {  	[tilespmem:$0xB620] =	vst v0  }
0x50: {  	[tilespmem:$0xB630] =	vst v0  }
0x51: {  	[tilespmem:$0xB640] =	vst v0  }
0x52: {  	[tilespmem:$0xB650] =	vst v0  }
0x53: {  	[tilespmem:$0xB660] =	vst v0  }
0x54: {  	[tilespmem:$0xB670] =	vst v0  }
0x55: {  	[tilespmem:$0xB680] =	vst v0  }
0x56: {  	[tilespmem:$0xB690] =	vst v0  }
0x57: {  	[tilespmem:$0xB6A0] =	vst v0  }
0x58: {  	[tilespmem:$0xB6B0] =	vst v0  }
0x59: {  	[tilespmem:$0xB6C0] =	vst v0  }
0x5a: {  	[tilespmem:$0xB6D0] =	vst v0  }
0x5b: {  	[tilespmem:$0xB6E0] =	vst v0  }
0x5c: {  	[tilespmem:$0xB6F0] =	vst v0  }
0x5d: {  	v1 =	vld [tilespmem:$0xB400];
	[spmem:s13] =	stream.linear.scatter [tilespmem:s28], [sflag:$0x2], $0x280, $0x38  }
0x5e: {  	_ =	swait.ge [sflag:s29], $0x280  }
0x5f: {  	[sflag:s29] =	ssyncset.done $0x0  }
0x60: {  	[sflag:s29] =	ssyncadd.s32 $0xFFFFFD80  }
0x61: {  	[spmem:s14] =	stream.linear.scatter [tilespmem:s28], [sflag:$0x2], $0x280, $0x38;
	[tilespmem:$0xF800] =	vst v63  }
0x62: {  	_ =	swait.ge [sflag:s29], $0x280  }
0x63: {  	[sflag:s29] =	ssyncset.done $0x0  }
0x64: {  	[sflag:s29] =	ssyncadd.s32 $0xFFFFFD80  }
0x65: {  	[spmem:s15] =	stream.linear.scatter [tilespmem:s28], [sflag:$0x2], $0x280, $0x38;
	[tilespmem:$0xF800] =	vst v63  }
0x66: {  	_ =	swait.ge [sflag:s29], $0x280  }
0x67: {  	[sflag:s29] =	ssyncset.done $0x0  }
0x68: {  	[sflag:s29] =	ssyncadd.s32 $0xFFFFFD80  }
0x69: {  	s25 =	sand.u32 $0x7E00, s6;
	s3 =	simm.s32 $0x0;
	[bflag:$0x0] =	sbarrier.arrive $0xFFFF  }
0x6a: {  	s1 =	sand.u32 $0x70, s6;
	s0 =	sshrl.u32 s25, $0x2;
	v2 =	vld [tilespmem:s3+$0x8C00]  }
0x6b: {  	s0 =	sor.u32 s1, s0  }
0x6c: {  	v3 =	vld [tilespmem:s0+$0x7800];
	_ =	sdelay $0x5  }
0x6d: {  	v4 =	vld.idx.msk [tilespmem:v2+s6+$0x0], $0xffff  }
0x6e: {  	v5 =	vld.idx.msk [tilespmem:v2+s20+$0x0], $0xffff  }
0x6f: {  	v6 =	vld.idx.msk [tilespmem:v3+s6+$0x0], $0xffff  }
0x70: {  	v7 =	vld.idx.msk [tilespmem:v3+s20+$0x0], $0xffff  }
0x71: {  	v2 =	vld.idx.msk [tilespmem:v2+s21+$0x0], $0xffff  }
0x72: {  	v8 =	vld.idx.msk [tilespmem:v3+s21+$0x0], $0xffff;
	_ =	sdelay $0x2  }
0x73: {  	v4 =	vsub.f32 v6, v4;
	v5 =	vsub.f32 v7, v5;
	_ =	sdelay $0x1  }
0x74: {  	v2 =	vsub.f32 v8, v2;
	v6 =	vmul.f32 v4, v4;
	v7 =	vmul.f32 v5, v5;
	_ =	sdelay $0x1  }
0x75: {  	v59 =	vmul.f32 v2, v2;
	v6 =	vadd.f32 v7, v6;
	_ =	sdelay $0x1  }
0x76: {  	v6 =	vadd.f32 v59, v6;
	_ =	sdelay $0x1  }
0x77: {  	vm0 =	vgt.f32 v6, $0.0e+00  }
0x78: {  	v6 =	vnsel vm0, $0x3F800000, v6  }
0x79: {  	v60 =	vshra.s32 v6, $0x1;
	v61 =	vmul.f32 $5.000000000e-01, v6  }
0x7a: {  	v7 =	vsub.s32 $0x5F3759DF, v60  }
0x7b: {  	v9 =	vmul.f32 v7, v61;
	_ =	sdelay $0x1  }
0x7c: {  	v9 =	vmul.f32 v7, v9;
	_ =	sdelay $0x1  }
0x7d: {  	v9 =	vsub.f32 $1.500000000e+00, v9;
	_ =	sdelay $0x1  }
0x7e: {  	v7 =	vmul.f32 v7, v9;
	_ =	sdelay $0x1  }
0x7f: {  	v9 =	vmul.f32 v7, v61;
	_ =	sdelay $0x1  }
0x80: {  	v9 =	vmul.f32 v9, v7;
	_ =	sdelay $0x1  }
0x81: {  	v9 =	vsub.f32 $1.500000000e+00, v9;
	_ =	sdelay $0x1  }
0x82: {  	v7 =	vmul.f32 v9, v7;
	_ =	sdelay $0x1  }
0x83: {  	v8 =	vmul.f32 v7, v61;
	_ =	sdelay $0x1  }
0x84: {  	v8 =	vmul.f32 v8, v7;
	_ =	sdelay $0x1  }
0x85: {  	v8 =	vsub.f32 $1.500000000e+00, v8;
	_ =	sdelay $0x1  }
0x86: {  	v7 =	vmul.f32 v8, v7;
	_ =	sdelay $0x1  }
0x87: {  	v6 =	vmul.f32 v7, v6;
	_ =	sdelay $0x1  }
0x88: {  	v6 =	vadd.f32 $9.999999970e-07, v6;
	_ =	sdelay $0x1  }
0x89: {  	(erf) = vrcp.f32 v6;
	_ =	sdelay $0x3  }
0x8a: {  	v62 =	vld [tilespmem:s3+$0xA000];
	_ =	sdelay $0x3  }
0x8b: {  	vm15 =	vlt.s32 v3, v1  }
0x8c: {  	v3 =	vsel vm15, $0x0, v62;
	v63 =	vpop (erf)  }
0x8d: {  	v3 =	vmul.f32 v63, v3  }
0x8e: {  	s24 =	simm.s32 $0x10  }
0x8f: {  	v6 =	vmul.f32 v3, v2;
	v2 =	vld [tilespmem:s24+$0x8C00];
	_ =	sdelay $0x2  }
0x90: {  	s22 =	simm.s32 $0x40;
	v5 =	vmul.f32 v3, v5  }
0x91: {  	s23 =	sand.u32 $0x7E00, s22;
	s0 =	simm.s32 $0x10;
	v3 =	vmul.f32 v3, v4;
	[tilespmem:s3+$0xDC80] =	vst v6  }
0x92: {  	s22 =	simm.s32 $0x80;
	s1 =	sshrl.u32 s23, $0x2;
	s25 =	sand.u32 $0x70, s0;
	[tilespmem:s3+$0xC880] =	vst v5  }
.LBB2_2:
0x93: {  	p0 =	sne.s32 s22, $0x4FC0;
	s1 =	sor.u32 s25, s1;
	[tilespmem:s3+$0xB480] =	vst v3;
	s3 =	smov.u32 s24  }
0x94: {  	s23 =	simm.s32 $0x0;
	v3 =	vld [tilespmem:s1+$0x7800]  }
0x95: {  	v4 =	vld.idx.msk [tilespmem:v2+s23+$0x0], $0xffff  }
0x96: {  	v5 =	vld.idx.msk [tilespmem:v2+s20+$0x0], $0xffff  }
0x97: {  	v2 =	vld.idx.msk [tilespmem:v2+s21+$0x0], $0xffff;
	_ =	sdelay $0x4  }
0x98: {  	v6 =	vld.idx.msk [tilespmem:v3+s23+$0x0], $0xffff  }
0x99: {  	v7 =	vld.idx.msk [tilespmem:v3+s20+$0x0], $0xffff;
	_ =	sdelay $0x1  }
0x9a: {  	v8 =	vld.idx.msk [tilespmem:v3+s21+$0x0], $0xffff;
	_ =	sdelay $0x3  }
0x9b: {  	v4 =	vsub.f32 v6, v4;
	v5 =	vsub.f32 v7, v5;
	_ =	sdelay $0x1  }
0x9c: {  	v6 =	vsub.f32 v8, v2;
	v2 =	vmul.f32 v4, v4;
	v7 =	vmul.f32 v5, v5;
	_ =	sdelay $0x1  }
0x9d: {  	v2 =	vadd.f32 v7, v2;
	v7 =	vmul.f32 v6, v6;
	_ =	sdelay $0x1  }
0x9e: {  	v2 =	vadd.f32 v7, v2;
	_ =	sdelay $0x1  }
0x9f: {  	vm0 =	vgt.f32 v2, $0.0e+00  }
0xa0: {  	v2 =	vnsel vm0, $0x3F800000, v2  }
0xa1: {  	v7 =	vshra.s32 v2, $0x1;
	v8 =	vmul.f32 $5.000000000e-01, v2  }
0xa2: {  	v7 =	vsub.s32 $0x5F3759DF, v7  }
0xa3: {  	v9 =	vmul.f32 v7, v8;
	_ =	sdelay $0x1  }
0xa4: {  	v9 =	vmul.f32 v7, v9;
	_ =	sdelay $0x1  }
0xa5: {  	v9 =	vsub.f32 $1.500000000e+00, v9;
	_ =	sdelay $0x1  }
0xa6: {  	v7 =	vmul.f32 v7, v9;
	_ =	sdelay $0x1  }
0xa7: {  	v9 =	vmul.f32 v7, v8;
	_ =	sdelay $0x1  }
0xa8: {  	v9 =	vmul.f32 v9, v7;
	_ =	sdelay $0x1  }
0xa9: {  	v9 =	vsub.f32 $1.500000000e+00, v9;
	_ =	sdelay $0x1  }
0xaa: {  	v7 =	vmul.f32 v9, v7;
	_ =	sdelay $0x1  }
0xab: {  	v8 =	vmul.f32 v7, v8;
	_ =	sdelay $0x1  }
0xac: {  	v8 =	vmul.f32 v8, v7;
	_ =	sdelay $0x1  }
0xad: {  	v8 =	vsub.f32 $1.500000000e+00, v8;
	_ =	sdelay $0x1  }
0xae: {  	v7 =	vmul.f32 v8, v7;
	_ =	sdelay $0x1  }
0xaf: {  	v2 =	vmul.f32 v7, v2;
	_ =	sdelay $0x1  }
0xb0: {  	v2 =	vadd.f32 $9.999999970e-07, v2;
	_ =	sdelay $0x1  }
0xb1: {  	(erf) = vrcp.f32 v2;
	_ =	sdelay $0x3  }
0xb2: {  	v2 =	vld [tilespmem:s3+$0xA000];
	_ =	sdelay $0x3  }
0xb3: {  	vm0 =	vlt.s32 v3, v1  }
0xb4: {  	s24 =	sshra.s32 s22, $0x2;
	v3 =	vsel vm0, $0x0, v2;
	v7 =	vpop (erf)  }
0xb5: {  	v2 =	vld [tilespmem:s24+$0x8C00];
	v3 =	vmul.f32 v7, v3  }
.Ltmp0:
0xb6: {  	(pc) =	sbr.rel @p0 .LBB2_2-.Ltmp0, $4  }
0xb7: {  	v5 =	vmul.f32 v3, v5;
	v6 =	vmul.f32 v3, v6  }
0xb8: {  	v3 =	vmul.f32 v3, v4  }
0xb9: {  	s0 =	sadd.s32 $0x10, s0;
	s1 =	sand.u32 $0x7E00, s22;
	[tilespmem:s3+$0xDC80] =	vst v6  }
0xba: {  	s25 =	sand.u32 $0x70, s0;
	s22 =	sadd.s32 $0x40, s22;
	s1 =	sshrl.u32 s1, $0x2;
	[tilespmem:s3+$0xC880] =	vst v5  }
0xbb: {  	s0 =	sor.u32 s25, s1;
	[tilespmem:s3+$0xB480] =	vst v3  }
0xbc: {  	v3 =	vld [tilespmem:s0+$0x7800];
	_ =	sdelay $0x5  }
0xbd: {  	v4 =	vld.idx.msk [tilespmem:v2+s23+$0x0], $0xffff  }
0xbe: {  	v5 =	vld.idx.msk [tilespmem:v2+s20+$0x0], $0xffff  }
0xbf: {  	v6 =	vld.idx.msk [tilespmem:v3+s23+$0x0], $0xffff  }
0xc0: {  	v7 =	vld.idx.msk [tilespmem:v3+s20+$0x0], $0xffff  }
0xc1: {  	v2 =	vld.idx.msk [tilespmem:v2+s21+$0x0], $0xffff  }
0xc2: {  	v8 =	vld.idx.msk [tilespmem:v3+s21+$0x0], $0xffff;
	_ =	sdelay $0x2  }
0xc3: {  	v4 =	vsub.f32 v6, v4;
	v5 =	vsub.f32 v7, v5;
	_ =	sdelay $0x1  }
0xc4: {  	v2 =	vsub.f32 v8, v2;
	v6 =	vmul.f32 v4, v4;
	v7 =	vmul.f32 v5, v5;
	_ =	sdelay $0x1  }
0xc5: {  	v60 =	vmul.f32 v2, v2;
	v6 =	vadd.f32 v7, v6;
	_ =	sdelay $0x1  }
0xc6: {  	v6 =	vadd.f32 v60, v6;
	_ =	sdelay $0x1  }
0xc7: {  	vm0 =	vgt.f32 v6, $0.0e+00  }
0xc8: {  	v6 =	vnsel vm0, $0x3F800000, v6  }
0xc9: {  	v61 =	vshra.s32 v6, $0x1;
	v62 =	vmul.f32 $5.000000000e-01, v6  }
0xca: {  	v7 =	vsub.s32 $0x5F3759DF, v61  }
0xcb: {  	v9 =	vmul.f32 v7, v62;
	_ =	sdelay $0x1  }
0xcc: {  	v9 =	vmul.f32 v7, v9;
	_ =	sdelay $0x1  }
0xcd: {  	v9 =	vsub.f32 $1.500000000e+00, v9;
	_ =	sdelay $0x1  }
0xce: {  	v7 =	vmul.f32 v7, v9;
	_ =	sdelay $0x1  }
0xcf: {  	v9 =	vmul.f32 v7, v62;
	_ =	sdelay $0x1  }
0xd0: {  	v9 =	vmul.f32 v9, v7;
	_ =	sdelay $0x1  }
0xd1: {  	v9 =	vsub.f32 $1.500000000e+00, v9;
	_ =	sdelay $0x1  }
0xd2: {  	v7 =	vmul.f32 v9, v7;
	_ =	sdelay $0x1  }
0xd3: {  	v8 =	vmul.f32 v7, v62;
	_ =	sdelay $0x1  }
0xd4: {  	v8 =	vmul.f32 v8, v7;
	_ =	sdelay $0x1  }
0xd5: {  	v8 =	vsub.f32 $1.500000000e+00, v8;
	_ =	sdelay $0x1  }
0xd6: {  	v7 =	vmul.f32 v8, v7;
	_ =	sdelay $0x1  }
0xd7: {  	v6 =	vmul.f32 v7, v6;
	_ =	sdelay $0x1  }
0xd8: {  	v6 =	vadd.f32 $9.999999970e-07, v6;
	_ =	sdelay $0x1  }
0xd9: {  	(erf) = vrcp.f32 v6;
	_ =	sdelay $0x3  }
0xda: {  	v63 =	vld [tilespmem:s24+$0xA000];
	_ =	sdelay $0x3  }
0xdb: {  	vm15 =	vlt.s32 v3, v1  }
0xdc: {  	v1 =	vsel vm15, $0x0, v63;
	v3 =	vpop (erf)  }
0xdd: {  	v1 =	vmul.f32 v3, v1  }
0xde: {  	p1 =	por $0x1, $0x1  }
.Ltmp1:
0xdf: {  	v2 =	vmul.f32 v1, v2;
	(pc) =	sbr.rel @!p1 .LBB2_6-.Ltmp1, $4  }
0xe0: {  	v3 =	vmul.f32 v1, v5  }
0xe1: {  	v1 =	vmul.f32 v1, v4;
	[tilespmem:s24+$0xDC80] =	vst v2  }
0xe2: {  	[tilespmem:s24+$0xC880] =	vst v3  }
0xe3: {  	s3 =	simm.s32 $0x0;
	p0 =	por $0x0, $0x0;
	[tilespmem:s24+$0xB480] =	vst v1  }
0xe4: {  	s0 =	simm.s32 $0xB480;
	s1 =	simm.s32 $0x7800  }
0xe5: {  	[spmem:s2] =	stream.indirect.scatter.add.f32 [tilespmem:s0], [sflag:$0x1], $0x1, s1, s30, $0xb8;
	[tilespmem:$0xF800] =	vst v63  }
0xe6: {  	s24 =	simm.s32 $0xC880  }
0xe7: {  	[spmem:s4] =	stream.indirect.scatter.add.f32 [tilespmem:s24], [sflag:$0x1], $0x1, s1, s30, $0xb8;
	[tilespmem:$0xF800] =	vst v63  }
0xe8: {  	s25 =	simm.s32 $0xDC80  }
0xe9: {  	[spmem:s5] =	stream.indirect.scatter.add.f32 [tilespmem:s25], [sflag:$0x1], $0x1, s1, s30, $0xb8;
	[tilespmem:$0xF800] =	vst v63  }
0xea: {  	_ =	swait.ge [sflag:s26], $0x80  }
0xeb: {  	[sflag:s26] =	ssyncset.done $0x0  }
0xec: {  	p1 =	por $0x1, $0x1;
	[sflag:s26] =	ssyncadd.s32 $0xFFFFFF80  }
.Ltmp2:
0xed: {  	_ =	swait.ge [sflag:s26], $0x80;
	(pc) =	sbr.rel @!p1 .LBB2_6-.Ltmp2, $4  }
0xee: {  	[sflag:s26] =	ssyncset.done $0x0  }
0xef: {  	[sflag:s26] =	ssyncadd.s32 $0xFFFFFF80  }
0xf0: {  	s3 =	simm.s32 $0x80;
	_ =	swait.ge [sflag:s26], $0x80  }
0xf1: {  	p0 =	por $0x1, $0x1;
	s0 =	simm.s32 $0x400;
	[sflag:s26] =	ssyncset.done $0x0  }
.LBB2_5:
0xf2: {  	s1 =	sadd.s32 $0xB480, s3  }
0xf3: {  	s22 =	sadd.s32 $0x7800, s3;
	[sflag:s26] =	ssyncadd.s32 $0xFFFFFF80;
	s23 =	smov.u32 s0  }
0xf4: {  	[spmem:s2] =	stream.indirect.scatter.add.f32 [tilespmem:s1], [sflag:$0x1], $0x1, s22, s30, $0xb8;
	[tilespmem:$0xF800] =	vst v63  }
0xf5: {  	p1 =	sne.s32 s0, $0x4E00;
	s0 =	sadd.s32 $0x200, s0;
	s1 =	sadd.s32 $0xC880, s3  }
0xf6: {  	[spmem:s4] =	stream.indirect.scatter.add.f32 [tilespmem:s1], [sflag:$0x1], $0x1, s22, s30, $0xb8;
	[tilespmem:$0xF800] =	vst v63  }
0xf7: {  	s1 =	sadd.s32 $0xDC80, s3  }
0xf8: {  	[spmem:s5] =	stream.indirect.scatter.add.f32 [tilespmem:s1], [sflag:$0x1], $0x1, s22, s30, $0xb8;
	[tilespmem:$0xF800] =	vst v63  }
0xf9: {  	_ =	swait.ge [sflag:s26], $0x80  }
0xfa: {  	[sflag:s26] =	ssyncset.done $0x0  }
0xfb: {  	[sflag:s26] =	ssyncadd.s32 $0xFFFFFF80  }
.Ltmp3:
0xfc: {  	_ =	swait.ge [sflag:s26], $0x80;
	(pc) =	sbr.rel @p1 .LBB2_5-.Ltmp3, $4  }
0xfd: {  	[sflag:s26] =	ssyncset.done $0x0  }
0xfe: {  	[sflag:s26] =	ssyncadd.s32 $0xFFFFFF80  }
0xff: {  	_ =	swait.ge [sflag:s26], $0x80  }
0x100: {  	s3 =	sshra.s32 s23, $0x2;
	[sflag:s26] =	ssyncset.done $0x0  }
.LBB2_6:
0x101: {  	s0 =	sadd.s32 $0xB480, s3;
	s1 =	sadd.s32 $0x7800, s3;
	[sflag:s26] =	ssyncadd.s32 @p0 $0xFFFFFF80  }
0x102: {  	[spmem:s2] =	stream.indirect.scatter.add.f32 [tilespmem:s0], [sflag:$0x1], $0x1, s1, s30, $0xb8;
	[tilespmem:$0xF800] =	vst v63  }
0x103: {  	s25 =	sadd.s32 $0xC880, s3  }
0x104: {  	[spmem:s4] =	stream.indirect.scatter.add.f32 [tilespmem:s25], [sflag:$0x1], $0x1, s1, s30, $0xb8;
	[tilespmem:$0xF800] =	vst v63  }
0x105: {  	s3 =	sadd.s32 $0xDC80, s3  }
0x106: {  	[spmem:s5] =	stream.indirect.scatter.add.f32 [tilespmem:s3], [sflag:$0x1], $0x1, s1, s30, $0xb8;
	[tilespmem:$0xF800] =	vst v63  }
0x107: {  	_ =	swait.ge [sflag:s26], $0x80  }
0x108: {  	[sflag:s26] =	ssyncset.done $0x0  }
0x109: {  	[sflag:s26] =	ssyncadd.s32 $0xFFFFFF80  }
0x10a: {  	_ =	swait.ge [sflag:s26], $0x80  }
0x10b: {  	[sflag:s26] =	ssyncset.done $0x0  }
0x10c: {  	[sflag:s26] =	ssyncadd.s32 $0xFFFFFF80  }
0x10d: {  	_ =	swait.ge [sflag:s26], $0x80  }
0x10e: {  	s22 =	stileid.u32;
	s23 =	sshrl.u32 s13, $0x3;
	[sflag:s26] =	ssyncset.done $0x0  }
0x10f: {  	s24 =	sshrl.u32 s14, $0x3;
	s0 =	sshll.u32 s22, $0x6;
	[sflag:s26] =	ssyncadd.s32 $0xFFFFFF80  }
0x110: {  	s0 =	sor.u32 $0x1C01, s0;
	s25 =	sshrl.u32 s15, $0x3;
	[bflag:$0x0] =	sbarrier.arrive $0xFFFF  }
0x111: {  	[hbm:s16], [sflag:s0] =	dma.local [spmem:s23], $0x50  }
0x112: {  	[hbm:s17], [sflag:s0] =	dma.local [spmem:s24], $0x50  }
0x113: {  	[hbm:s18], [sflag:s0] =	dma.local [spmem:s25], $0x50  }
0x114: {  	_ =	swait.ge [sflag:s26], $0x50  }
0x115: {  	[sflag:s26] =	ssyncset.done $0x0  }
0x116: {  	s31 =	sadd.s32 $0x1, s31;
	[sflag:s26] =	ssyncadd.s32 $0xFFFFFFB0  }
0x117: {  	p0 =	sne.s32 s31, s19;
	_ =	swait.ge [sflag:s26], $0x50  }
.Ltmp4:
0x118: {  	[sflag:s26] =	ssyncset.done $0x0;
	(pc) =	sbr.rel @p0 .LBB2_1-.Ltmp4, $4  }
0x119: {  	[sflag:s26] =	ssyncadd.s32 $0xFFFFFFB0  }
0x11a: {  	_ =	swait.ge [sflag:s26], $0x50  }
0x11b: {  	[sflag:s26] =	ssyncset.done $0x0  }
0x11c: {  	[sflag:s26] =	ssyncadd.s32 $0xFFFFFFB0  }
0x11d: {  	_ =	sfence.sel $0x180000  }
0x11e: {  	[bflag:$0x0] =	sbarrier.arrive $0xFFFF  }
0x11f: {  	_ =	strace $0x90000047  }
0x120: {  	s0 =	stileid.u32;
	[bflag:$0x2] =	sbarrier.arrive $0xFFFF  }
0x121: {  	p0 =	sne.s32 s0, $0x0;
	s0 =	rddreg [dreg:$0x5]  }
0x122: {  	s0 =	sadd.s32 @!p0 $0x100000, s0  }
0x123: {  	[sflag:s0] =	ssyncadd.tile.s32 @!p0 $0x1;
	_ =	shalt  }
.Lfunc_end2:
_tile_overlayer_lowered:
.L_overlay_start_2:
0x124: {  	(tag) =	ssettag $0x2  }
0x125: {  	s0 =	rddreg [dreg:$0x0];
	s2 =	stileid.u32  }
0x126: {  	s1 =	rddreg [dreg:$0x1];
	p0 =	sne.s32 s2, $0x0  }
0x127: {  	s3 =	rddreg [dreg:$0x2];
	[bflag:$0x3] =	sbarrier.arrive $0xFFFF;
	s2 =	simm.s32 @!p0 $0x1C02  }
0x128: {  	[timem:s3], [sflag:s2] =	dma.local @!p0 [hbm:s0], s1  }
0x129: {  	s0 =	simm.s32 @!p0 $0x2  }
0x12a: {  	_ =	swait.ge @!p0 [sflag:s0], s1  }
0x12b: {  	s1 =	ssub.s32 @!p0 $0x0, s1;
	[sflag:s0] =	ssyncset.done @!p0 $0x0  }
0x12c: {  	[sflag:s0] =	ssyncadd.s32 @!p0 s1  }
0x12d: {  	[bflag:$0x3] =	sbarrier.arrive $0xFFFF  }
0x12e: {  	_ =	shalt  }

</sc_bundles>
